<compile_context>
chip_gen: v7x
topology: tpu7x:2x2x1
jax: 0.10.2.dev20260603
libtpu: 0.0.44.dev20260713+nightly
codegen_flags: <defaults>
</compile_context>

<pallas_src>
import jax
import jax.numpy as jnp
from jax import lax
from jax.experimental import pallas as pl
from jax.experimental.pallas import tpu as pltpu
from jax.experimental.pallas import tpu_sc as plsc

VOCAB = 1000000
EMBED_DIM = 64
BATCH = 4096
HIST = 200

_INFO = plsc.get_sparse_core_info()
NC, NS, L = _INFO.num_cores, _INFO.num_subcores, _INFO.num_lanes
NW = NC * NS

B = BATCH * HIST
B_PER_W = B // NW
BATCH_PER_W = BATCH // NW
N_CHUNKS = BATCH_PER_W
NBUF = 4
LOOKAHEAD = 2


def _gather_body(x_hbm, table_hbm, out_hbm, idx_v, rows_v,
                 g0, g1, g2, g3, o0, o1, o2, o3):
    gsems = (g0, g1, g2, g3)
    osems = (o0, o1, o2, o3)
    wid = lax.axis_index("s") * NC + lax.axis_index("c")
    base = wid * B_PER_W
    b_base = wid * BATCH_PER_W
    pltpu.sync_copy(x_hbm.at[pl.ds(base, B_PER_W)], idx_v)

    def fire_gather(c, b):
        pltpu.async_copy(
            table_hbm.at[idx_v.at[pl.ds(c * HIST, HIST)]],
            rows_v.at[b], gsems[b])

    def wait_gather(c, b):
        pltpu.make_async_copy(
            table_hbm.at[idx_v.at[pl.ds(c * HIST, HIST)]],
            rows_v.at[b], gsems[b]).wait()

    def fire_out(c, b):
        pltpu.async_copy(
            rows_v.at[b],
            out_hbm.at[b_base + c, :, pl.ds(0, EMBED_DIM)], osems[b])

    def wait_out(c, b):
        pltpu.make_async_copy(
            rows_v.at[b],
            out_hbm.at[b_base + c, :, pl.ds(0, EMBED_DIM)], osems[b]).wait()

    for c in range(LOOKAHEAD):
        fire_gather(c, c % NBUF)

    def round_body(r, carry):
        for b in range(NBUF):
            c = r * NBUF + b
            c2 = c + LOOKAHEAD
            b2 = (b + LOOKAHEAD) % NBUF

            @pl.when(c2 < N_CHUNKS)
            def _():
                @pl.when(c2 >= NBUF)
                def _():
                    wait_out(c2 - NBUF, b2)
                fire_gather(c2, b2)

            wait_gather(c, b)
            fire_out(c, b)
        return carry

    lax.fori_loop(0, N_CHUNKS // NBUF, round_body, 0)

    for k in range(NBUF):
        c = N_CHUNKS - NBUF + k
        wait_out(c, c % NBUF)


def kernel(x, table):
    x1 = x.reshape(B).astype(jnp.int32)
    mesh = plsc.VectorSubcoreMesh(core_axis_name="c", subcore_axis_name="s")
    padded = pl.kernel(
        _gather_body,
        mesh=mesh,
        out_type=jax.ShapeDtypeStruct((BATCH, HIST, 2 * EMBED_DIM), jnp.float32),
        scratch_types=[
            pltpu.VMEM((B_PER_W,), jnp.int32),
            pltpu.VMEM((NBUF, HIST, EMBED_DIM), jnp.float32),
        ] + [pltpu.SemaphoreType.DMA] * (2 * NBUF),
        compiler_params=pltpu.CompilerParams(use_tc_tiling_on_sc=False),
    )(x1, table)
    return padded[:, :, :EMBED_DIM]

# --- scband reference (transcript-rebuilt; emitter-appended) ---
"""Pipeline reference for scband-torchtext-vectors-embedder-49546742727030 (READ-ONLY COPY).

The authoritative reference and input builder live on the scoring server;
editing this copy changes nothing except your own understanding.
"""

import jax, jax.numpy as jnp
import numpy as np

VOCAB = 1000000
EMBED_DIM = 64
BATCH = 4096
HIST = 200

def setup_inputs(seed: int = 0) -> dict:
    key = jax.random.key(seed)
    k_idx, k_tab = jax.random.split(key)
    x = jax.random.randint(k_idx, (BATCH, HIST), 0, VOCAB, dtype=jnp.int64 if jax.config.jax_enable_x64 else jnp.int32)
    table = jax.random.normal(k_tab, (VOCAB, EMBED_DIM), dtype=jnp.float32) * 0.02
    return {"x": x, "table": table}

def reference(x, table):
    # _TorchtextVectorsEmbedder.forward: get_vecs_by_tokens == row gather from
    # the pretrained vector table (lower_case_backup=False is a no-op for
    # already-resolved integer token ids).
    return jnp.take(table, x, axis=0)

if __name__ == "__main__":
    import jax
    _d = setup_inputs()
    print(jax.jit(kernel)(*tuple(_d.values())))

</pallas_src>

<mosaic_0001>
#map = affine_map<(d0, d1) -> (0)>
#map1 = affine_map<(d0, d1) -> (0, 0)>
#map2 = affine_map<(d0, d1) -> (0, 0, 0)>
module attributes {stable_mosaic.version = 14 : i64} {
  func.func @_gather_body(%arg0: i32, %arg1: i32, %arg2: memref<819200xi32, #tpu.memory_space<hbm>>, %arg3: memref<1000000x64xf32, #tpu.memory_space<hbm>>, %arg4: memref<4096x200x128xf32, #tpu.memory_space<hbm>>, %arg5: memref<25600xi32, #tpu.memory_space<vmem>>, %arg6: memref<4x200x64xf32, #tpu.memory_space<vmem>>, %arg7: memref<!tpu.dma_semaphore, #tpu.memory_space<semaphore_mem>>, %arg8: memref<!tpu.dma_semaphore, #tpu.memory_space<semaphore_mem>>, %arg9: memref<!tpu.dma_semaphore, #tpu.memory_space<semaphore_mem>>, %arg10: memref<!tpu.dma_semaphore, #tpu.memory_space<semaphore_mem>>, %arg11: memref<!tpu.dma_semaphore, #tpu.memory_space<semaphore_mem>>, %arg12: memref<!tpu.dma_semaphore, #tpu.memory_space<semaphore_mem>>, %arg13: memref<!tpu.dma_semaphore, #tpu.memory_space<semaphore_mem>>, %arg14: memref<!tpu.dma_semaphore, #tpu.memory_space<semaphore_mem>>) attributes {dimension_semantics = [#tpu.dimension_semantics<core_parallel>, #tpu.dimension_semantics<subcore_parallel>], iteration_bounds = array<i64: 2, 16>, scalar_prefetch = 0 : i64, scratch_operands = 10 : i64, tpu.core_type = #tpu.core_type<sc_vector_subcore>, window_params = [{transform_indices = #map}, {transform_indices = #map1}, {transform_indices = #map2}]} {
    %mul3A = arith.constant 2 : i32
    %mul3A_0 = arith.muli %arg1, %mul3A : i32
    %add3A = arith.addi %mul3A_0, %arg0 : i32
    %mul3A_1 = arith.constant 25600 : i32
    %mul3A_2 = arith.muli %add3A, %mul3A_1 : i32
    %mul3A_3 = arith.constant 128 : i32
    %mul3A_4 = arith.muli %add3A, %mul3A_3 : i32
    "tpu.region"() ({
      %run_scoped3A = tpu.sem_alloc : memref<!tpu.dma_semaphore, #tpu.memory_space<semaphore_mem>>
      %dma_start3A_104 = tpu.memref_slice %arg2[%mul3A_2] : memref<819200xi32, #tpu.memory_space<hbm>> -> memref<25600xi32, #tpu.memory_space<hbm>>
      %dma_start3A_105 = tpu.memref_slice %arg2[%mul3A_2] : memref<819200xi32, #tpu.memory_space<hbm>> -> memref<25600xi32, #tpu.memory_space<hbm>>
      tpu.enqueue_dma source(%dma_start3A_105 : memref<25600xi32, #tpu.memory_space<hbm>>) target(%arg5 : memref<25600xi32, #tpu.memory_space<vmem>>) target_semaphore(%run_scoped3A : memref<!tpu.dma_semaphore, #tpu.memory_space<semaphore_mem>>)
      %dma_wait3A_106 = tpu.memref_slice %arg2[%mul3A_2] : memref<819200xi32, #tpu.memory_space<hbm>> -> memref<25600xi32, #tpu.memory_space<hbm>>
      %dma_wait3A_107 = tpu.memref_slice %arg2[%mul3A_2] : memref<819200xi32, #tpu.memory_space<hbm>> -> memref<25600xi32, #tpu.memory_space<hbm>>
      tpu.wait_dma2 semaphore(%run_scoped3A : memref<!tpu.dma_semaphore, #tpu.memory_space<semaphore_mem>>) src(%dma_wait3A_107 : memref<25600xi32, #tpu.memory_space<hbm>>) dst(%arg5 : memref<25600xi32, #tpu.memory_space<vmem>>)
      tpu.yield
    }) : () -> ()
    %dma_start3A = arith.constant 0 : i32
    %dma_start3A_5 = arith.constant 0 : i32
    %dma_start3A_6 = arith.constant 0 : i32
    %dma_start3A_7 = tpu.memref_slice %arg6[%dma_start3A, %dma_start3A_5, %dma_start3A_6] : memref<4x200x64xf32, #tpu.memory_space<vmem>> -> memref<1x200x64xf32, #tpu.memory_space<vmem>>
    %dma_start3A_8 = tpu.memref_squeeze %dma_start3A_7 : memref<1x200x64xf32, #tpu.memory_space<vmem>> -> memref<200x64xf32, #tpu.memory_space<vmem>>
    %dma_start3A_9 = arith.constant 0 : i32
    %dma_start3A_10 = tpu.memref_slice %arg5[%dma_start3A_9] : memref<25600xi32, #tpu.memory_space<vmem>> -> memref<200xi32, #tpu.memory_space<vmem>>
    %dma_start3A_11 = arith.constant 0 : i32
    %dma_start3A_12 = arith.constant 0 : i32
    %dma_start3A_13 = tpu.memref_slice %arg3[%dma_start3A_11, %dma_start3A_12] : memref<1000000x64xf32, #tpu.memory_space<hbm>> -> memref<1000000x64xf32, #tpu.memory_space<hbm>>
    tpu.enqueue_indirect_dma source(%dma_start3A_13 : memref<1000000x64xf32, #tpu.memory_space<hbm>>) target(%dma_start3A_8 : memref<200x64xf32, #tpu.memory_space<vmem>>) offsets(%dma_start3A_10 : memref<200xi32, #tpu.memory_space<vmem>>) semaphore(%arg7 : memref<!tpu.dma_semaphore, #tpu.memory_space<semaphore_mem>>)
    %dma_start3A_14 = arith.constant 1 : i32
    %dma_start3A_15 = arith.constant 0 : i32
    %dma_start3A_16 = arith.constant 0 : i32
    %dma_start3A_17 = tpu.memref_slice %arg6[%dma_start3A_14, %dma_start3A_15, %dma_start3A_16] : memref<4x200x64xf32, #tpu.memory_space<vmem>> -> memref<1x200x64xf32, #tpu.memory_space<vmem>>
    %dma_start3A_18 = tpu.memref_squeeze %dma_start3A_17 : memref<1x200x64xf32, #tpu.memory_space<vmem>> -> memref<200x64xf32, #tpu.memory_space<vmem>>
    %dma_start3A_19 = arith.constant 200 : i32
    %dma_start3A_20 = tpu.memref_slice %arg5[%dma_start3A_19] : memref<25600xi32, #tpu.memory_space<vmem>> -> memref<200xi32, #tpu.memory_space<vmem>>
    %dma_start3A_21 = arith.constant 0 : i32
    %dma_start3A_22 = arith.constant 0 : i32
    %dma_start3A_23 = tpu.memref_slice %arg3[%dma_start3A_21, %dma_start3A_22] : memref<1000000x64xf32, #tpu.memory_space<hbm>> -> memref<1000000x64xf32, #tpu.memory_space<hbm>>
    tpu.enqueue_indirect_dma source(%dma_start3A_23 : memref<1000000x64xf32, #tpu.memory_space<hbm>>) target(%dma_start3A_18 : memref<200x64xf32, #tpu.memory_space<vmem>>) offsets(%dma_start3A_20 : memref<200xi32, #tpu.memory_space<vmem>>) semaphore(%arg8 : memref<!tpu.dma_semaphore, #tpu.memory_space<semaphore_mem>>)
    %scan3A = arith.constant 0 : i32
    %scan3A_24 = arith.constant 0 : i32
    %scan3A_25 = arith.constant 32 : i32
    %scan3A_26 = arith.addi %scan3A_24, %scan3A_25 : i32
    %scan3A_27 = arith.constant 1 : i32
    scf.for %scan3A_104 = %scan3A_24 to %scan3A_26 step %scan3A_27  : i32 {
      %mul3A_105 = arith.constant 4 : i32
      %mul3A_106 = arith.muli %scan3A_104, %mul3A_105 : i32
      %add3A_107 = arith.constant 0 : i32
      %add3A_108 = arith.addi %mul3A_106, %add3A_107 : i32
      %add3A_109 = arith.constant 2 : i32
      %add3A_110 = arith.addi %add3A_108, %add3A_109 : i32
      %lt3A = arith.constant 128 : i32
      %lt3A_111 = arith.cmpi slt, %add3A_110, %lt3A : i32
      %convert_element_type3A = arith.extui %lt3A_111 : i1 to i32
      %cond3A = arith.constant 0 : i32
      %cond3A_112 = arith.cmpi ne, %convert_element_type3A, %cond3A : i32
      scf.if %cond3A_112 {
        %ge3A = arith.constant 4 : i32
        %ge3A_262 = arith.cmpi sge, %add3A_110, %ge3A : i32
        %convert_element_type3A_263 = arith.extui %ge3A_262 : i1 to i32
        %cond3A_264 = arith.constant 0 : i32
        %cond3A_265 = arith.cmpi ne, %convert_element_type3A_263, %cond3A_264 : i32
        scf.if %cond3A_265 {
          %sub3A = arith.constant 4 : i32
          %sub3A_277 = arith.subi %add3A_110, %sub3A : i32
          %add3A_278 = arith.addi %mul3A_4, %sub3A_277 : i32
          %dma_wait3A_279 = arith.constant 2 : i32
          %dma_wait3A_280 = arith.constant 0 : i32
          %dma_wait3A_281 = arith.constant 0 : i32
          %dma_wait3A_282 = tpu.memref_slice %arg6[%dma_wait3A_279, %dma_wait3A_280, %dma_wait3A_281] : memref<4x200x64xf32, #tpu.memory_space<vmem>> -> memref<1x200x64xf32, #tpu.memory_space<vmem>>
          %dma_wait3A_283 = tpu.memref_squeeze %dma_wait3A_282 : memref<1x200x64xf32, #tpu.memory_space<vmem>> -> memref<200x64xf32, #tpu.memory_space<vmem>>
          %dma_wait3A_284 = arith.constant 0 : i32
          %dma_wait3A_285 = arith.constant 0 : i32
          %dma_wait3A_286 = tpu.memref_slice %arg4[%add3A_278, %dma_wait3A_284, %dma_wait3A_285] : memref<4096x200x128xf32, #tpu.memory_space<hbm>> -> memref<1x200x64xf32, #tpu.memory_space<hbm>>
          %dma_wait3A_287 = tpu.memref_squeeze %dma_wait3A_286 : memref<1x200x64xf32, #tpu.memory_space<hbm>> -> memref<200x64xf32, #tpu.memory_space<hbm>>
          %dma_wait3A_288 = arith.constant 0 : i32
          %dma_wait3A_289 = arith.constant 0 : i32
          %dma_wait3A_290 = tpu.memref_slice %arg4[%add3A_278, %dma_wait3A_288, %dma_wait3A_289] : memref<4096x200x128xf32, #tpu.memory_space<hbm>> -> memref<1x200x64xf32, #tpu.memory_space<hbm>>
          %dma_wait3A_291 = tpu.memref_squeeze %dma_wait3A_290 : memref<1x200x64xf32, #tpu.memory_space<hbm>> -> memref<200x64xf32, #tpu.memory_space<hbm>>
          %dma_wait3A_292 = arith.constant 0 : i32
          %dma_wait3A_293 = arith.constant 0 : i32
          %dma_wait3A_294 = tpu.memref_slice %arg6[%dma_wait3A_279, %dma_wait3A_292, %dma_wait3A_293] : memref<4x200x64xf32, #tpu.memory_space<vmem>> -> memref<1x200x64xf32, #tpu.memory_space<vmem>>
          %dma_wait3A_295 = tpu.memref_squeeze %dma_wait3A_294 : memref<1x200x64xf32, #tpu.memory_space<vmem>> -> memref<200x64xf32, #tpu.memory_space<vmem>>
          tpu.wait_dma2 semaphore(%arg13 : memref<!tpu.dma_semaphore, #tpu.memory_space<semaphore_mem>>) src(%dma_wait3A_295 : memref<200x64xf32, #tpu.memory_space<vmem>>) dst(%dma_wait3A_291 : memref<200x64xf32, #tpu.memory_space<hbm>>)
        } else {
        }
        %mul3A_266 = arith.constant 200 : i32
        %mul3A_267 = arith.muli %add3A_110, %mul3A_266 : i32
        %dma_start3A_268 = arith.constant 2 : i32
        %dma_start3A_269 = arith.constant 0 : i32
        %dma_start3A_270 = arith.constant 0 : i32
        %dma_start3A_271 = tpu.memref_slice %arg6[%dma_start3A_268, %dma_start3A_269, %dma_start3A_270] : memref<4x200x64xf32, #tpu.memory_space<vmem>> -> memref<1x200x64xf32, #tpu.memory_space<vmem>>
        %dma_start3A_272 = tpu.memref_squeeze %dma_start3A_271 : memref<1x200x64xf32, #tpu.memory_space<vmem>> -> memref<200x64xf32, #tpu.memory_space<vmem>>
        %dma_start3A_273 = tpu.memref_slice %arg5[%mul3A_267] : memref<25600xi32, #tpu.memory_space<vmem>> -> memref<200xi32, #tpu.memory_space<vmem>>
        %dma_start3A_274 = arith.constant 0 : i32
        %dma_start3A_275 = arith.constant 0 : i32
        %dma_start3A_276 = tpu.memref_slice %arg3[%dma_start3A_274, %dma_start3A_275] : memref<1000000x64xf32, #tpu.memory_space<hbm>> -> memref<1000000x64xf32, #tpu.memory_space<hbm>>
        tpu.enqueue_indirect_dma source(%dma_start3A_276 : memref<1000000x64xf32, #tpu.memory_space<hbm>>) target(%dma_start3A_272 : memref<200x64xf32, #tpu.memory_space<vmem>>) offsets(%dma_start3A_273 : memref<200xi32, #tpu.memory_space<vmem>>) semaphore(%arg9 : memref<!tpu.dma_semaphore, #tpu.memory_space<semaphore_mem>>)
      } else {
      }
      %mul3A_113 = arith.constant 200 : i32
      %mul3A_114 = arith.muli %add3A_108, %mul3A_113 : i32
      %dma_wait3A_115 = arith.constant 0 : i32
      %dma_wait3A_116 = arith.constant 0 : i32
      %dma_wait3A_117 = arith.constant 0 : i32
      %dma_wait3A_118 = tpu.memref_slice %arg6[%dma_wait3A_115, %dma_wait3A_116, %dma_wait3A_117] : memref<4x200x64xf32, #tpu.memory_space<vmem>> -> memref<1x200x64xf32, #tpu.memory_space<vmem>>
      %dma_wait3A_119 = tpu.memref_squeeze %dma_wait3A_118 : memref<1x200x64xf32, #tpu.memory_space<vmem>> -> memref<200x64xf32, #tpu.memory_space<vmem>>
      %dma_wait3A_120 = tpu.memref_slice %arg5[%mul3A_114] : memref<25600xi32, #tpu.memory_space<vmem>> -> memref<200xi32, #tpu.memory_space<vmem>>
      %dma_wait3A_121 = arith.constant 0 : i32
      %dma_wait3A_122 = arith.constant 0 : i32
      %dma_wait3A_123 = tpu.memref_slice %arg3[%dma_wait3A_121, %dma_wait3A_122] : memref<1000000x64xf32, #tpu.memory_space<hbm>> -> memref<1000000x64xf32, #tpu.memory_space<hbm>>
      tpu.wait_indirect_dma semaphore(%arg7 : memref<!tpu.dma_semaphore, #tpu.memory_space<semaphore_mem>>) src(%dma_wait3A_123 : memref<1000000x64xf32, #tpu.memory_space<hbm>>) dst(%dma_wait3A_119 : memref<200x64xf32, #tpu.memory_space<vmem>>)
      %add3A_124 = arith.addi %mul3A_4, %add3A_108 : i32
      %dma_start3A_125 = arith.constant 0 : i32
      %dma_start3A_126 = arith.constant 0 : i32
      %dma_start3A_127 = arith.constant 0 : i32
      %dma_start3A_128 = tpu.memref_slice %arg6[%dma_start3A_125, %dma_start3A_126, %dma_start3A_127] : memref<4x200x64xf32, #tpu.memory_space<vmem>> -> memref<1x200x64xf32, #tpu.memory_space<vmem>>
      %dma_start3A_129 = tpu.memref_squeeze %dma_start3A_128 : memref<1x200x64xf32, #tpu.memory_space<vmem>> -> memref<200x64xf32, #tpu.memory_space<vmem>>
      %dma_start3A_130 = arith.constant 0 : i32
      %dma_start3A_131 = arith.constant 0 : i32
      %dma_start3A_132 = tpu.memref_slice %arg4[%add3A_124, %dma_start3A_130, %dma_start3A_131] : memref<4096x200x128xf32, #tpu.memory_space<hbm>> -> memref<1x200x64xf32, #tpu.memory_space<hbm>>
      %dma_start3A_133 = tpu.memref_squeeze %dma_start3A_132 : memref<1x200x64xf32, #tpu.memory_space<hbm>> -> memref<200x64xf32, #tpu.memory_space<hbm>>
      %dma_start3A_134 = arith.constant 0 : i32
      %dma_start3A_135 = arith.constant 0 : i32
      %dma_start3A_136 = tpu.memref_slice %arg4[%add3A_124, %dma_start3A_134, %dma_start3A_135] : memref<4096x200x128xf32, #tpu.memory_space<hbm>> -> memref<1x200x64xf32, #tpu.memory_space<hbm>>
      %dma_start3A_137 = tpu.memref_squeeze %dma_start3A_136 : memref<1x200x64xf32, #tpu.memory_space<hbm>> -> memref<200x64xf32, #tpu.memory_space<hbm>>
      %dma_start3A_138 = arith.constant 0 : i32
      %dma_start3A_139 = arith.constant 0 : i32
      %dma_start3A_140 = tpu.memref_slice %arg6[%dma_start3A_125, %dma_start3A_138, %dma_start3A_139] : memref<4x200x64xf32, #tpu.memory_space<vmem>> -> memref<1x200x64xf32, #tpu.memory_space<vmem>>
      %dma_start3A_141 = tpu.memref_squeeze %dma_start3A_140 : memref<1x200x64xf32, #tpu.memory_space<vmem>> -> memref<200x64xf32, #tpu.memory_space<vmem>>
      tpu.enqueue_dma source(%dma_start3A_141 : memref<200x64xf32, #tpu.memory_space<vmem>>) target(%dma_start3A_137 : memref<200x64xf32, #tpu.memory_space<hbm>>) target_semaphore(%arg11 : memref<!tpu.dma_semaphore, #tpu.memory_space<semaphore_mem>>)
      %mul3A_142 = arith.constant 4 : i32
      %mul3A_143 = arith.muli %scan3A_104, %mul3A_142 : i32
      %add3A_144 = arith.constant 1 : i32
      %add3A_145 = arith.addi %mul3A_143, %add3A_144 : i32
      %add3A_146 = arith.constant 2 : i32
      %add3A_147 = arith.addi %add3A_145, %add3A_146 : i32
      %lt3A_148 = arith.constant 128 : i32
      %lt3A_149 = arith.cmpi slt, %add3A_147, %lt3A_148 : i32
      %convert_element_type3A_150 = arith.extui %lt3A_149 : i1 to i32
      %cond3A_151 = arith.constant 0 : i32
      %cond3A_152 = arith.cmpi ne, %convert_element_type3A_150, %cond3A_151 : i32
      scf.if %cond3A_152 {
        %ge3A = arith.constant 4 : i32
        %ge3A_262 = arith.cmpi sge, %add3A_147, %ge3A : i32
        %convert_element_type3A_263 = arith.extui %ge3A_262 : i1 to i32
        %cond3A_264 = arith.constant 0 : i32
        %cond3A_265 = arith.cmpi ne, %convert_element_type3A_263, %cond3A_264 : i32
        scf.if %cond3A_265 {
          %sub3A = arith.constant 4 : i32
          %sub3A_277 = arith.subi %add3A_147, %sub3A : i32
          %add3A_278 = arith.addi %mul3A_4, %sub3A_277 : i32
          %dma_wait3A_279 = arith.constant 3 : i32
          %dma_wait3A_280 = arith.constant 0 : i32
          %dma_wait3A_281 = arith.constant 0 : i32
          %dma_wait3A_282 = tpu.memref_slice %arg6[%dma_wait3A_279, %dma_wait3A_280, %dma_wait3A_281] : memref<4x200x64xf32, #tpu.memory_space<vmem>> -> memref<1x200x64xf32, #tpu.memory_space<vmem>>
          %dma_wait3A_283 = tpu.memref_squeeze %dma_wait3A_282 : memref<1x200x64xf32, #tpu.memory_space<vmem>> -> memref<200x64xf32, #tpu.memory_space<vmem>>
          %dma_wait3A_284 = arith.constant 0 : i32
          %dma_wait3A_285 = arith.constant 0 : i32
          %dma_wait3A_286 = tpu.memref_slice %arg4[%add3A_278, %dma_wait3A_284, %dma_wait3A_285] : memref<4096x200x128xf32, #tpu.memory_space<hbm>> -> memref<1x200x64xf32, #tpu.memory_space<hbm>>
          %dma_wait3A_287 = tpu.memref_squeeze %dma_wait3A_286 : memref<1x200x64xf32, #tpu.memory_space<hbm>> -> memref<200x64xf32, #tpu.memory_space<hbm>>
          %dma_wait3A_288 = arith.constant 0 : i32
          %dma_wait3A_289 = arith.constant 0 : i32
          %dma_wait3A_290 = tpu.memref_slice %arg4[%add3A_278, %dma_wait3A_288, %dma_wait3A_289] : memref<4096x200x128xf32, #tpu.memory_space<hbm>> -> memref<1x200x64xf32, #tpu.memory_space<hbm>>
          %dma_wait3A_291 = tpu.memref_squeeze %dma_wait3A_290 : memref<1x200x64xf32, #tpu.memory_space<hbm>> -> memref<200x64xf32, #tpu.memory_space<hbm>>
          %dma_wait3A_292 = arith.constant 0 : i32
          %dma_wait3A_293 = arith.constant 0 : i32
          %dma_wait3A_294 = tpu.memref_slice %arg6[%dma_wait3A_279, %dma_wait3A_292, %dma_wait3A_293] : memref<4x200x64xf32, #tpu.memory_space<vmem>> -> memref<1x200x64xf32, #tpu.memory_space<vmem>>
          %dma_wait3A_295 = tpu.memref_squeeze %dma_wait3A_294 : memref<1x200x64xf32, #tpu.memory_space<vmem>> -> memref<200x64xf32, #tpu.memory_space<vmem>>
          tpu.wait_dma2 semaphore(%arg14 : memref<!tpu.dma_semaphore, #tpu.memory_space<semaphore_mem>>) src(%dma_wait3A_295 : memref<200x64xf32, #tpu.memory_space<vmem>>) dst(%dma_wait3A_291 : memref<200x64xf32, #tpu.memory_space<hbm>>)
        } else {
        }
        %mul3A_266 = arith.constant 200 : i32
        %mul3A_267 = arith.muli %add3A_147, %mul3A_266 : i32
        %dma_start3A_268 = arith.constant 3 : i32
        %dma_start3A_269 = arith.constant 0 : i32
        %dma_start3A_270 = arith.constant 0 : i32
        %dma_start3A_271 = tpu.memref_slice %arg6[%dma_start3A_268, %dma_start3A_269, %dma_start3A_270] : memref<4x200x64xf32, #tpu.memory_space<vmem>> -> memref<1x200x64xf32, #tpu.memory_space<vmem>>
        %dma_start3A_272 = tpu.memref_squeeze %dma_start3A_271 : memref<1x200x64xf32, #tpu.memory_space<vmem>> -> memref<200x64xf32, #tpu.memory_space<vmem>>
        %dma_start3A_273 = tpu.memref_slice %arg5[%mul3A_267] : memref<25600xi32, #tpu.memory_space<vmem>> -> memref<200xi32, #tpu.memory_space<vmem>>
        %dma_start3A_274 = arith.constant 0 : i32
        %dma_start3A_275 = arith.constant 0 : i32
        %dma_start3A_276 = tpu.memref_slice %arg3[%dma_start3A_274, %dma_start3A_275] : memref<1000000x64xf32, #tpu.memory_space<hbm>> -> memref<1000000x64xf32, #tpu.memory_space<hbm>>
        tpu.enqueue_indirect_dma source(%dma_start3A_276 : memref<1000000x64xf32, #tpu.memory_space<hbm>>) target(%dma_start3A_272 : memref<200x64xf32, #tpu.memory_space<vmem>>) offsets(%dma_start3A_273 : memref<200xi32, #tpu.memory_space<vmem>>) semaphore(%arg10 : memref<!tpu.dma_semaphore, #tpu.memory_space<semaphore_mem>>)
      } else {
      }
      %mul3A_153 = arith.constant 200 : i32
      %mul3A_154 = arith.muli %add3A_145, %mul3A_153 : i32
      %dma_wait3A_155 = arith.constant 1 : i32
      %dma_wait3A_156 = arith.constant 0 : i32
      %dma_wait3A_157 = arith.constant 0 : i32
      %dma_wait3A_158 = tpu.memref_slice %arg6[%dma_wait3A_155, %dma_wait3A_156, %dma_wait3A_157] : memref<4x200x64xf32, #tpu.memory_space<vmem>> -> memref<1x200x64xf32, #tpu.memory_space<vmem>>
      %dma_wait3A_159 = tpu.memref_squeeze %dma_wait3A_158 : memref<1x200x64xf32, #tpu.memory_space<vmem>> -> memref<200x64xf32, #tpu.memory_space<vmem>>
      %dma_wait3A_160 = tpu.memref_slice %arg5[%mul3A_154] : memref<25600xi32, #tpu.memory_space<vmem>> -> memref<200xi32, #tpu.memory_space<vmem>>
      %dma_wait3A_161 = arith.constant 0 : i32
      %dma_wait3A_162 = arith.constant 0 : i32
      %dma_wait3A_163 = tpu.memref_slice %arg3[%dma_wait3A_161, %dma_wait3A_162] : memref<1000000x64xf32, #tpu.memory_space<hbm>> -> memref<1000000x64xf32, #tpu.memory_space<hbm>>
      tpu.wait_indirect_dma semaphore(%arg8 : memref<!tpu.dma_semaphore, #tpu.memory_space<semaphore_mem>>) src(%dma_wait3A_163 : memref<1000000x64xf32, #tpu.memory_space<hbm>>) dst(%dma_wait3A_159 : memref<200x64xf32, #tpu.memory_space<vmem>>)
      %add3A_164 = arith.addi %mul3A_4, %add3A_145 : i32
      %dma_start3A_165 = arith.constant 1 : i32
      %dma_start3A_166 = arith.constant 0 : i32
      %dma_start3A_167 = arith.constant 0 : i32
      %dma_start3A_168 = tpu.memref_slice %arg6[%dma_start3A_165, %dma_start3A_166, %dma_start3A_167] : memref<4x200x64xf32, #tpu.memory_space<vmem>> -> memref<1x200x64xf32, #tpu.memory_space<vmem>>
      %dma_start3A_169 = tpu.memref_squeeze %dma_start3A_168 : memref<1x200x64xf32, #tpu.memory_space<vmem>> -> memref<200x64xf32, #tpu.memory_space<vmem>>
      %dma_start3A_170 = arith.constant 0 : i32
      %dma_start3A_171 = arith.constant 0 : i32
      %dma_start3A_172 = tpu.memref_slice %arg4[%add3A_164, %dma_start3A_170, %dma_start3A_171] : memref<4096x200x128xf32, #tpu.memory_space<hbm>> -> memref<1x200x64xf32, #tpu.memory_space<hbm>>
      %dma_start3A_173 = tpu.memref_squeeze %dma_start3A_172 : memref<1x200x64xf32, #tpu.memory_space<hbm>> -> memref<200x64xf32, #tpu.memory_space<hbm>>
      %dma_start3A_174 = arith.constant 0 : i32
      %dma_start3A_175 = arith.constant 0 : i32
      %dma_start3A_176 = tpu.memref_slice %arg4[%add3A_164, %dma_start3A_174, %dma_start3A_175] : memref<4096x200x128xf32, #tpu.memory_space<hbm>> -> memref<1x200x64xf32, #tpu.memory_space<hbm>>
      %dma_start3A_177 = tpu.memref_squeeze %dma_start3A_176 : memref<1x200x64xf32, #tpu.memory_space<hbm>> -> memref<200x64xf32, #tpu.memory_space<hbm>>
      %dma_start3A_178 = arith.constant 0 : i32
      %dma_start3A_179 = arith.constant 0 : i32
      %dma_start3A_180 = tpu.memref_slice %arg6[%dma_start3A_165, %dma_start3A_178, %dma_start3A_179] : memref<4x200x64xf32, #tpu.memory_space<vmem>> -> memref<1x200x64xf32, #tpu.memory_space<vmem>>
      %dma_start3A_181 = tpu.memref_squeeze %dma_start3A_180 : memref<1x200x64xf32, #tpu.memory_space<vmem>> -> memref<200x64xf32, #tpu.memory_space<vmem>>
      tpu.enqueue_dma source(%dma_start3A_181 : memref<200x64xf32, #tpu.memory_space<vmem>>) target(%dma_start3A_177 : memref<200x64xf32, #tpu.memory_space<hbm>>) target_semaphore(%arg12 : memref<!tpu.dma_semaphore, #tpu.memory_space<semaphore_mem>>)
      %mul3A_182 = arith.constant 4 : i32
      %mul3A_183 = arith.muli %scan3A_104, %mul3A_182 : i32
      %add3A_184 = arith.constant 2 : i32
      %add3A_185 = arith.addi %mul3A_183, %add3A_184 : i32
      %add3A_186 = arith.constant 2 : i32
      %add3A_187 = arith.addi %add3A_185, %add3A_186 : i32
      %lt3A_188 = arith.constant 128 : i32
      %lt3A_189 = arith.cmpi slt, %add3A_187, %lt3A_188 : i32
      %convert_element_type3A_190 = arith.extui %lt3A_189 : i1 to i32
      %cond3A_191 = arith.constant 0 : i32
      %cond3A_192 = arith.cmpi ne, %convert_element_type3A_190, %cond3A_191 : i32
      scf.if %cond3A_192 {
        %ge3A = arith.constant 4 : i32
        %ge3A_262 = arith.cmpi sge, %add3A_187, %ge3A : i32
        %convert_element_type3A_263 = arith.extui %ge3A_262 : i1 to i32
        %cond3A_264 = arith.constant 0 : i32
        %cond3A_265 = arith.cmpi ne, %convert_element_type3A_263, %cond3A_264 : i32
        scf.if %cond3A_265 {
          %sub3A = arith.constant 4 : i32
          %sub3A_277 = arith.subi %add3A_187, %sub3A : i32
          %add3A_278 = arith.addi %mul3A_4, %sub3A_277 : i32
          %dma_wait3A_279 = arith.constant 0 : i32
          %dma_wait3A_280 = arith.constant 0 : i32
          %dma_wait3A_281 = arith.constant 0 : i32
          %dma_wait3A_282 = tpu.memref_slice %arg6[%dma_wait3A_279, %dma_wait3A_280, %dma_wait3A_281] : memref<4x200x64xf32, #tpu.memory_space<vmem>> -> memref<1x200x64xf32, #tpu.memory_space<vmem>>
          %dma_wait3A_283 = tpu.memref_squeeze %dma_wait3A_282 : memref<1x200x64xf32, #tpu.memory_space<vmem>> -> memref<200x64xf32, #tpu.memory_space<vmem>>
          %dma_wait3A_284 = arith.constant 0 : i32
          %dma_wait3A_285 = arith.constant 0 : i32
          %dma_wait3A_286 = tpu.memref_slice %arg4[%add3A_278, %dma_wait3A_284, %dma_wait3A_285] : memref<4096x200x128xf32, #tpu.memory_space<hbm>> -> memref<1x200x64xf32, #tpu.memory_space<hbm>>
          %dma_wait3A_287 = tpu.memref_squeeze %dma_wait3A_286 : memref<1x200x64xf32, #tpu.memory_space<hbm>> -> memref<200x64xf32, #tpu.memory_space<hbm>>
          %dma_wait3A_288 = arith.constant 0 : i32
          %dma_wait3A_289 = arith.constant 0 : i32
          %dma_wait3A_290 = tpu.memref_slice %arg4[%add3A_278, %dma_wait3A_288, %dma_wait3A_289] : memref<4096x200x128xf32, #tpu.memory_space<hbm>> -> memref<1x200x64xf32, #tpu.memory_space<hbm>>
          %dma_wait3A_291 = tpu.memref_squeeze %dma_wait3A_290 : memref<1x200x64xf32, #tpu.memory_space<hbm>> -> memref<200x64xf32, #tpu.memory_space<hbm>>
          %dma_wait3A_292 = arith.constant 0 : i32
          %dma_wait3A_293 = arith.constant 0 : i32
          %dma_wait3A_294 = tpu.memref_slice %arg6[%dma_wait3A_279, %dma_wait3A_292, %dma_wait3A_293] : memref<4x200x64xf32, #tpu.memory_space<vmem>> -> memref<1x200x64xf32, #tpu.memory_space<vmem>>
          %dma_wait3A_295 = tpu.memref_squeeze %dma_wait3A_294 : memref<1x200x64xf32, #tpu.memory_space<vmem>> -> memref<200x64xf32, #tpu.memory_space<vmem>>
          tpu.wait_dma2 semaphore(%arg11 : memref<!tpu.dma_semaphore, #tpu.memory_space<semaphore_mem>>) src(%dma_wait3A_295 : memref<200x64xf32, #tpu.memory_space<vmem>>) dst(%dma_wait3A_291 : memref<200x64xf32, #tpu.memory_space<hbm>>)
        } else {
        }
        %mul3A_266 = arith.constant 200 : i32
        %mul3A_267 = arith.muli %add3A_187, %mul3A_266 : i32
        %dma_start3A_268 = arith.constant 0 : i32
        %dma_start3A_269 = arith.constant 0 : i32
        %dma_start3A_270 = arith.constant 0 : i32
        %dma_start3A_271 = tpu.memref_slice %arg6[%dma_start3A_268, %dma_start3A_269, %dma_start3A_270] : memref<4x200x64xf32, #tpu.memory_space<vmem>> -> memref<1x200x64xf32, #tpu.memory_space<vmem>>
        %dma_start3A_272 = tpu.memref_squeeze %dma_start3A_271 : memref<1x200x64xf32, #tpu.memory_space<vmem>> -> memref<200x64xf32, #tpu.memory_space<vmem>>
        %dma_start3A_273 = tpu.memref_slice %arg5[%mul3A_267] : memref<25600xi32, #tpu.memory_space<vmem>> -> memref<200xi32, #tpu.memory_space<vmem>>
        %dma_start3A_274 = arith.constant 0 : i32
        %dma_start3A_275 = arith.constant 0 : i32
        %dma_start3A_276 = tpu.memref_slice %arg3[%dma_start3A_274, %dma_start3A_275] : memref<1000000x64xf32, #tpu.memory_space<hbm>> -> memref<1000000x64xf32, #tpu.memory_space<hbm>>
        tpu.enqueue_indirect_dma source(%dma_start3A_276 : memref<1000000x64xf32, #tpu.memory_space<hbm>>) target(%dma_start3A_272 : memref<200x64xf32, #tpu.memory_space<vmem>>) offsets(%dma_start3A_273 : memref<200xi32, #tpu.memory_space<vmem>>) semaphore(%arg7 : memref<!tpu.dma_semaphore, #tpu.memory_space<semaphore_mem>>)
      } else {
      }
      %mul3A_193 = arith.constant 200 : i32
      %mul3A_194 = arith.muli %add3A_185, %mul3A_193 : i32
      %dma_wait3A_195 = arith.constant 2 : i32
      %dma_wait3A_196 = arith.constant 0 : i32
      %dma_wait3A_197 = arith.constant 0 : i32
      %dma_wait3A_198 = tpu.memref_slice %arg6[%dma_wait3A_195, %dma_wait3A_196, %dma_wait3A_197] : memref<4x200x64xf32, #tpu.memory_space<vmem>> -> memref<1x200x64xf32, #tpu.memory_space<vmem>>
      %dma_wait3A_199 = tpu.memref_squeeze %dma_wait3A_198 : memref<1x200x64xf32, #tpu.memory_space<vmem>> -> memref<200x64xf32, #tpu.memory_space<vmem>>
      %dma_wait3A_200 = tpu.memref_slice %arg5[%mul3A_194] : memref<25600xi32, #tpu.memory_space<vmem>> -> memref<200xi32, #tpu.memory_space<vmem>>
      %dma_wait3A_201 = arith.constant 0 : i32
      %dma_wait3A_202 = arith.constant 0 : i32
      %dma_wait3A_203 = tpu.memref_slice %arg3[%dma_wait3A_201, %dma_wait3A_202] : memref<1000000x64xf32, #tpu.memory_space<hbm>> -> memref<1000000x64xf32, #tpu.memory_space<hbm>>
      tpu.wait_indirect_dma semaphore(%arg9 : memref<!tpu.dma_semaphore, #tpu.memory_space<semaphore_mem>>) src(%dma_wait3A_203 : memref<1000000x64xf32, #tpu.memory_space<hbm>>) dst(%dma_wait3A_199 : memref<200x64xf32, #tpu.memory_space<vmem>>)
      %add3A_204 = arith.addi %mul3A_4, %add3A_185 : i32
      %dma_start3A_205 = arith.constant 2 : i32
      %dma_start3A_206 = arith.constant 0 : i32
      %dma_start3A_207 = arith.constant 0 : i32
      %dma_start3A_208 = tpu.memref_slice %arg6[%dma_start3A_205, %dma_start3A_206, %dma_start3A_207] : memref<4x200x64xf32, #tpu.memory_space<vmem>> -> memref<1x200x64xf32, #tpu.memory_space<vmem>>
      %dma_start3A_209 = tpu.memref_squeeze %dma_start3A_208 : memref<1x200x64xf32, #tpu.memory_space<vmem>> -> memref<200x64xf32, #tpu.memory_space<vmem>>
      %dma_start3A_210 = arith.constant 0 : i32
      %dma_start3A_211 = arith.constant 0 : i32
      %dma_start3A_212 = tpu.memref_slice %arg4[%add3A_204, %dma_start3A_210, %dma_start3A_211] : memref<4096x200x128xf32, #tpu.memory_space<hbm>> -> memref<1x200x64xf32, #tpu.memory_space<hbm>>
      %dma_start3A_213 = tpu.memref_squeeze %dma_start3A_212 : memref<1x200x64xf32, #tpu.memory_space<hbm>> -> memref<200x64xf32, #tpu.memory_space<hbm>>
      %dma_start3A_214 = arith.constant 0 : i32
      %dma_start3A_215 = arith.constant 0 : i32
      %dma_start3A_216 = tpu.memref_slice %arg4[%add3A_204, %dma_start3A_214, %dma_start3A_215] : memref<4096x200x128xf32, #tpu.memory_space<hbm>> -> memref<1x200x64xf32, #tpu.memory_space<hbm>>
      %dma_start3A_217 = tpu.memref_squeeze %dma_start3A_216 : memref<1x200x64xf32, #tpu.memory_space<hbm>> -> memref<200x64xf32, #tpu.memory_space<hbm>>
      %dma_start3A_218 = arith.constant 0 : i32
      %dma_start3A_219 = arith.constant 0 : i32
      %dma_start3A_220 = tpu.memref_slice %arg6[%dma_start3A_205, %dma_start3A_218, %dma_start3A_219] : memref<4x200x64xf32, #tpu.memory_space<vmem>> -> memref<1x200x64xf32, #tpu.memory_space<vmem>>
      %dma_start3A_221 = tpu.memref_squeeze %dma_start3A_220 : memref<1x200x64xf32, #tpu.memory_space<vmem>> -> memref<200x64xf32, #tpu.memory_space<vmem>>
      tpu.enqueue_dma source(%dma_start3A_221 : memref<200x64xf32, #tpu.memory_space<vmem>>) target(%dma_start3A_217 : memref<200x64xf32, #tpu.memory_space<hbm>>) target_semaphore(%arg13 : memref<!tpu.dma_semaphore, #tpu.memory_space<semaphore_mem>>)
      %mul3A_222 = arith.constant 4 : i32
      %mul3A_223 = arith.muli %scan3A_104, %mul3A_222 : i32
      %add3A_224 = arith.constant 3 : i32
      %add3A_225 = arith.addi %mul3A_223, %add3A_224 : i32
      %add3A_226 = arith.constant 2 : i32
      %add3A_227 = arith.addi %add3A_225, %add3A_226 : i32
      %lt3A_228 = arith.constant 128 : i32
      %lt3A_229 = arith.cmpi slt, %add3A_227, %lt3A_228 : i32
      %convert_element_type3A_230 = arith.extui %lt3A_229 : i1 to i32
      %cond3A_231 = arith.constant 0 : i32
      %cond3A_232 = arith.cmpi ne, %convert_element_type3A_230, %cond3A_231 : i32
      scf.if %cond3A_232 {
        %ge3A = arith.constant 4 : i32
        %ge3A_262 = arith.cmpi sge, %add3A_227, %ge3A : i32
        %convert_element_type3A_263 = arith.extui %ge3A_262 : i1 to i32
        %cond3A_264 = arith.constant 0 : i32
        %cond3A_265 = arith.cmpi ne, %convert_element_type3A_263, %cond3A_264 : i32
        scf.if %cond3A_265 {
          %sub3A = arith.constant 4 : i32
          %sub3A_277 = arith.subi %add3A_227, %sub3A : i32
          %add3A_278 = arith.addi %mul3A_4, %sub3A_277 : i32
          %dma_wait3A_279 = arith.constant 1 : i32
          %dma_wait3A_280 = arith.constant 0 : i32
          %dma_wait3A_281 = arith.constant 0 : i32
          %dma_wait3A_282 = tpu.memref_slice %arg6[%dma_wait3A_279, %dma_wait3A_280, %dma_wait3A_281] : memref<4x200x64xf32, #tpu.memory_space<vmem>> -> memref<1x200x64xf32, #tpu.memory_space<vmem>>
          %dma_wait3A_283 = tpu.memref_squeeze %dma_wait3A_282 : memref<1x200x64xf32, #tpu.memory_space<vmem>> -> memref<200x64xf32, #tpu.memory_space<vmem>>
          %dma_wait3A_284 = arith.constant 0 : i32
          %dma_wait3A_285 = arith.constant 0 : i32
          %dma_wait3A_286 = tpu.memref_slice %arg4[%add3A_278, %dma_wait3A_284, %dma_wait3A_285] : memref<4096x200x128xf32, #tpu.memory_space<hbm>> -> memref<1x200x64xf32, #tpu.memory_space<hbm>>
          %dma_wait3A_287 = tpu.memref_squeeze %dma_wait3A_286 : memref<1x200x64xf32, #tpu.memory_space<hbm>> -> memref<200x64xf32, #tpu.memory_space<hbm>>
          %dma_wait3A_288 = arith.constant 0 : i32
          %dma_wait3A_289 = arith.constant 0 : i32
          %dma_wait3A_290 = tpu.memref_slice %arg4[%add3A_278, %dma_wait3A_288, %dma_wait3A_289] : memref<4096x200x128xf32, #tpu.memory_space<hbm>> -> memref<1x200x64xf32, #tpu.memory_space<hbm>>
          %dma_wait3A_291 = tpu.memref_squeeze %dma_wait3A_290 : memref<1x200x64xf32, #tpu.memory_space<hbm>> -> memref<200x64xf32, #tpu.memory_space<hbm>>
          %dma_wait3A_292 = arith.constant 0 : i32
          %dma_wait3A_293 = arith.constant 0 : i32
          %dma_wait3A_294 = tpu.memref_slice %arg6[%dma_wait3A_279, %dma_wait3A_292, %dma_wait3A_293] : memref<4x200x64xf32, #tpu.memory_space<vmem>> -> memref<1x200x64xf32, #tpu.memory_space<vmem>>
          %dma_wait3A_295 = tpu.memref_squeeze %dma_wait3A_294 : memref<1x200x64xf32, #tpu.memory_space<vmem>> -> memref<200x64xf32, #tpu.memory_space<vmem>>
          tpu.wait_dma2 semaphore(%arg12 : memref<!tpu.dma_semaphore, #tpu.memory_space<semaphore_mem>>) src(%dma_wait3A_295 : memref<200x64xf32, #tpu.memory_space<vmem>>) dst(%dma_wait3A_291 : memref<200x64xf32, #tpu.memory_space<hbm>>)
        } else {
        }
        %mul3A_266 = arith.constant 200 : i32
        %mul3A_267 = arith.muli %add3A_227, %mul3A_266 : i32
        %dma_start3A_268 = arith.constant 1 : i32
        %dma_start3A_269 = arith.constant 0 : i32
        %dma_start3A_270 = arith.constant 0 : i32
        %dma_start3A_271 = tpu.memref_slice %arg6[%dma_start3A_268, %dma_start3A_269, %dma_start3A_270] : memref<4x200x64xf32, #tpu.memory_space<vmem>> -> memref<1x200x64xf32, #tpu.memory_space<vmem>>
        %dma_start3A_272 = tpu.memref_squeeze %dma_start3A_271 : memref<1x200x64xf32, #tpu.memory_space<vmem>> -> memref<200x64xf32, #tpu.memory_space<vmem>>
        %dma_start3A_273 = tpu.memref_slice %arg5[%mul3A_267] : memref<25600xi32, #tpu.memory_space<vmem>> -> memref<200xi32, #tpu.memory_space<vmem>>
        %dma_start3A_274 = arith.constant 0 : i32
        %dma_start3A_275 = arith.constant 0 : i32
        %dma_start3A_276 = tpu.memref_slice %arg3[%dma_start3A_274, %dma_start3A_275] : memref<1000000x64xf32, #tpu.memory_space<hbm>> -> memref<1000000x64xf32, #tpu.memory_space<hbm>>
        tpu.enqueue_indirect_dma source(%dma_start3A_276 : memref<1000000x64xf32, #tpu.memory_space<hbm>>) target(%dma_start3A_272 : memref<200x64xf32, #tpu.memory_space<vmem>>) offsets(%dma_start3A_273 : memref<200xi32, #tpu.memory_space<vmem>>) semaphore(%arg8 : memref<!tpu.dma_semaphore, #tpu.memory_space<semaphore_mem>>)
      } else {
      }
      %mul3A_233 = arith.constant 200 : i32
      %mul3A_234 = arith.muli %add3A_225, %mul3A_233 : i32
      %dma_wait3A_235 = arith.constant 3 : i32
      %dma_wait3A_236 = arith.constant 0 : i32
      %dma_wait3A_237 = arith.constant 0 : i32
      %dma_wait3A_238 = tpu.memref_slice %arg6[%dma_wait3A_235, %dma_wait3A_236, %dma_wait3A_237] : memref<4x200x64xf32, #tpu.memory_space<vmem>> -> memref<1x200x64xf32, #tpu.memory_space<vmem>>
      %dma_wait3A_239 = tpu.memref_squeeze %dma_wait3A_238 : memref<1x200x64xf32, #tpu.memory_space<vmem>> -> memref<200x64xf32, #tpu.memory_space<vmem>>
      %dma_wait3A_240 = tpu.memref_slice %arg5[%mul3A_234] : memref<25600xi32, #tpu.memory_space<vmem>> -> memref<200xi32, #tpu.memory_space<vmem>>
      %dma_wait3A_241 = arith.constant 0 : i32
      %dma_wait3A_242 = arith.constant 0 : i32
      %dma_wait3A_243 = tpu.memref_slice %arg3[%dma_wait3A_241, %dma_wait3A_242] : memref<1000000x64xf32, #tpu.memory_space<hbm>> -> memref<1000000x64xf32, #tpu.memory_space<hbm>>
      tpu.wait_indirect_dma semaphore(%arg10 : memref<!tpu.dma_semaphore, #tpu.memory_space<semaphore_mem>>) src(%dma_wait3A_243 : memref<1000000x64xf32, #tpu.memory_space<hbm>>) dst(%dma_wait3A_239 : memref<200x64xf32, #tpu.memory_space<vmem>>)
      %add3A_244 = arith.addi %mul3A_4, %add3A_225 : i32
      %dma_start3A_245 = arith.constant 3 : i32
      %dma_start3A_246 = arith.constant 0 : i32
      %dma_start3A_247 = arith.constant 0 : i32
      %dma_start3A_248 = tpu.memref_slice %arg6[%dma_start3A_245, %dma_start3A_246, %dma_start3A_247] : memref<4x200x64xf32, #tpu.memory_space<vmem>> -> memref<1x200x64xf32, #tpu.memory_space<vmem>>
      %dma_start3A_249 = tpu.memref_squeeze %dma_start3A_248 : memref<1x200x64xf32, #tpu.memory_space<vmem>> -> memref<200x64xf32, #tpu.memory_space<vmem>>
      %dma_start3A_250 = arith.constant 0 : i32
      %dma_start3A_251 = arith.constant 0 : i32
      %dma_start3A_252 = tpu.memref_slice %arg4[%add3A_244, %dma_start3A_250, %dma_start3A_251] : memref<4096x200x128xf32, #tpu.memory_space<hbm>> -> memref<1x200x64xf32, #tpu.memory_space<hbm>>
      %dma_start3A_253 = tpu.memref_squeeze %dma_start3A_252 : memref<1x200x64xf32, #tpu.memory_space<hbm>> -> memref<200x64xf32, #tpu.memory_space<hbm>>
      %dma_start3A_254 = arith.constant 0 : i32
      %dma_start3A_255 = arith.constant 0 : i32
      %dma_start3A_256 = tpu.memref_slice %arg4[%add3A_244, %dma_start3A_254, %dma_start3A_255] : memref<4096x200x128xf32, #tpu.memory_space<hbm>> -> memref<1x200x64xf32, #tpu.memory_space<hbm>>
      %dma_start3A_257 = tpu.memref_squeeze %dma_start3A_256 : memref<1x200x64xf32, #tpu.memory_space<hbm>> -> memref<200x64xf32, #tpu.memory_space<hbm>>
      %dma_start3A_258 = arith.constant 0 : i32
      %dma_start3A_259 = arith.constant 0 : i32
      %dma_start3A_260 = tpu.memref_slice %arg6[%dma_start3A_245, %dma_start3A_258, %dma_start3A_259] : memref<4x200x64xf32, #tpu.memory_space<vmem>> -> memref<1x200x64xf32, #tpu.memory_space<vmem>>
      %dma_start3A_261 = tpu.memref_squeeze %dma_start3A_260 : memref<1x200x64xf32, #tpu.memory_space<vmem>> -> memref<200x64xf32, #tpu.memory_space<vmem>>
      tpu.enqueue_dma source(%dma_start3A_261 : memref<200x64xf32, #tpu.memory_space<vmem>>) target(%dma_start3A_257 : memref<200x64xf32, #tpu.memory_space<hbm>>) target_semaphore(%arg14 : memref<!tpu.dma_semaphore, #tpu.memory_space<semaphore_mem>>)
    }
    %scan3A_28 = arith.constant 32 : i32
    %add3A_29 = arith.constant 124 : i32
    %add3A_30 = arith.addi %mul3A_4, %add3A_29 : i32
    %dma_wait3A = arith.constant 0 : i32
    %dma_wait3A_31 = arith.constant 0 : i32
    %dma_wait3A_32 = arith.constant 0 : i32
    %dma_wait3A_33 = tpu.memref_slice %arg6[%dma_wait3A, %dma_wait3A_31, %dma_wait3A_32] : memref<4x200x64xf32, #tpu.memory_space<vmem>> -> memref<1x200x64xf32, #tpu.memory_space<vmem>>
    %dma_wait3A_34 = tpu.memref_squeeze %dma_wait3A_33 : memref<1x200x64xf32, #tpu.memory_space<vmem>> -> memref<200x64xf32, #tpu.memory_space<vmem>>
    %dma_wait3A_35 = arith.constant 0 : i32
    %dma_wait3A_36 = arith.constant 0 : i32
    %dma_wait3A_37 = tpu.memref_slice %arg4[%add3A_30, %dma_wait3A_35, %dma_wait3A_36] : memref<4096x200x128xf32, #tpu.memory_space<hbm>> -> memref<1x200x64xf32, #tpu.memory_space<hbm>>
    %dma_wait3A_38 = tpu.memref_squeeze %dma_wait3A_37 : memref<1x200x64xf32, #tpu.memory_space<hbm>> -> memref<200x64xf32, #tpu.memory_space<hbm>>
    %dma_wait3A_39 = arith.constant 0 : i32
    %dma_wait3A_40 = arith.constant 0 : i32
    %dma_wait3A_41 = tpu.memref_slice %arg4[%add3A_30, %dma_wait3A_39, %dma_wait3A_40] : memref<4096x200x128xf32, #tpu.memory_space<hbm>> -> memref<1x200x64xf32, #tpu.memory_space<hbm>>
    %dma_wait3A_42 = tpu.memref_squeeze %dma_wait3A_41 : memref<1x200x64xf32, #tpu.memory_space<hbm>> -> memref<200x64xf32, #tpu.memory_space<hbm>>
    %dma_wait3A_43 = arith.constant 0 : i32
    %dma_wait3A_44 = arith.constant 0 : i32
    %dma_wait3A_45 = tpu.memref_slice %arg6[%dma_wait3A, %dma_wait3A_43, %dma_wait3A_44] : memref<4x200x64xf32, #tpu.memory_space<vmem>> -> memref<1x200x64xf32, #tpu.memory_space<vmem>>
    %dma_wait3A_46 = tpu.memref_squeeze %dma_wait3A_45 : memref<1x200x64xf32, #tpu.memory_space<vmem>> -> memref<200x64xf32, #tpu.memory_space<vmem>>
    tpu.wait_dma2 semaphore(%arg11 : memref<!tpu.dma_semaphore, #tpu.memory_space<semaphore_mem>>) src(%dma_wait3A_46 : memref<200x64xf32, #tpu.memory_space<vmem>>) dst(%dma_wait3A_42 : memref<200x64xf32, #tpu.memory_space<hbm>>)
    %add3A_47 = arith.constant 125 : i32
    %add3A_48 = arith.addi %mul3A_4, %add3A_47 : i32
    %dma_wait3A_49 = arith.constant 1 : i32
    %dma_wait3A_50 = arith.constant 0 : i32
    %dma_wait3A_51 = arith.constant 0 : i32
    %dma_wait3A_52 = tpu.memref_slice %arg6[%dma_wait3A_49, %dma_wait3A_50, %dma_wait3A_51] : memref<4x200x64xf32, #tpu.memory_space<vmem>> -> memref<1x200x64xf32, #tpu.memory_space<vmem>>
    %dma_wait3A_53 = tpu.memref_squeeze %dma_wait3A_52 : memref<1x200x64xf32, #tpu.memory_space<vmem>> -> memref<200x64xf32, #tpu.memory_space<vmem>>
    %dma_wait3A_54 = arith.constant 0 : i32
    %dma_wait3A_55 = arith.constant 0 : i32
    %dma_wait3A_56 = tpu.memref_slice %arg4[%add3A_48, %dma_wait3A_54, %dma_wait3A_55] : memref<4096x200x128xf32, #tpu.memory_space<hbm>> -> memref<1x200x64xf32, #tpu.memory_space<hbm>>
    %dma_wait3A_57 = tpu.memref_squeeze %dma_wait3A_56 : memref<1x200x64xf32, #tpu.memory_space<hbm>> -> memref<200x64xf32, #tpu.memory_space<hbm>>
    %dma_wait3A_58 = arith.constant 0 : i32
    %dma_wait3A_59 = arith.constant 0 : i32
    %dma_wait3A_60 = tpu.memref_slice %arg4[%add3A_48, %dma_wait3A_58, %dma_wait3A_59] : memref<4096x200x128xf32, #tpu.memory_space<hbm>> -> memref<1x200x64xf32, #tpu.memory_space<hbm>>
    %dma_wait3A_61 = tpu.memref_squeeze %dma_wait3A_60 : memref<1x200x64xf32, #tpu.memory_space<hbm>> -> memref<200x64xf32, #tpu.memory_space<hbm>>
    %dma_wait3A_62 = arith.constant 0 : i32
    %dma_wait3A_63 = arith.constant 0 : i32
    %dma_wait3A_64 = tpu.memref_slice %arg6[%dma_wait3A_49, %dma_wait3A_62, %dma_wait3A_63] : memref<4x200x64xf32, #tpu.memory_space<vmem>> -> memref<1x200x64xf32, #tpu.memory_space<vmem>>
    %dma_wait3A_65 = tpu.memref_squeeze %dma_wait3A_64 : memref<1x200x64xf32, #tpu.memory_space<vmem>> -> memref<200x64xf32, #tpu.memory_space<vmem>>
    tpu.wait_dma2 semaphore(%arg12 : memref<!tpu.dma_semaphore, #tpu.memory_space<semaphore_mem>>) src(%dma_wait3A_65 : memref<200x64xf32, #tpu.memory_space<vmem>>) dst(%dma_wait3A_61 : memref<200x64xf32, #tpu.memory_space<hbm>>)
    %add3A_66 = arith.constant 126 : i32
    %add3A_67 = arith.addi %mul3A_4, %add3A_66 : i32
    %dma_wait3A_68 = arith.constant 2 : i32
    %dma_wait3A_69 = arith.constant 0 : i32
    %dma_wait3A_70 = arith.constant 0 : i32
    %dma_wait3A_71 = tpu.memref_slice %arg6[%dma_wait3A_68, %dma_wait3A_69, %dma_wait3A_70] : memref<4x200x64xf32, #tpu.memory_space<vmem>> -> memref<1x200x64xf32, #tpu.memory_space<vmem>>
    %dma_wait3A_72 = tpu.memref_squeeze %dma_wait3A_71 : memref<1x200x64xf32, #tpu.memory_space<vmem>> -> memref<200x64xf32, #tpu.memory_space<vmem>>
    %dma_wait3A_73 = arith.constant 0 : i32
    %dma_wait3A_74 = arith.constant 0 : i32
    %dma_wait3A_75 = tpu.memref_slice %arg4[%add3A_67, %dma_wait3A_73, %dma_wait3A_74] : memref<4096x200x128xf32, #tpu.memory_space<hbm>> -> memref<1x200x64xf32, #tpu.memory_space<hbm>>
    %dma_wait3A_76 = tpu.memref_squeeze %dma_wait3A_75 : memref<1x200x64xf32, #tpu.memory_space<hbm>> -> memref<200x64xf32, #tpu.memory_space<hbm>>
    %dma_wait3A_77 = arith.constant 0 : i32
    %dma_wait3A_78 = arith.constant 0 : i32
    %dma_wait3A_79 = tpu.memref_slice %arg4[%add3A_67, %dma_wait3A_77, %dma_wait3A_78] : memref<4096x200x128xf32, #tpu.memory_space<hbm>> -> memref<1x200x64xf32, #tpu.memory_space<hbm>>
    %dma_wait3A_80 = tpu.memref_squeeze %dma_wait3A_79 : memref<1x200x64xf32, #tpu.memory_space<hbm>> -> memref<200x64xf32, #tpu.memory_space<hbm>>
    %dma_wait3A_81 = arith.constant 0 : i32
    %dma_wait3A_82 = arith.constant 0 : i32
    %dma_wait3A_83 = tpu.memref_slice %arg6[%dma_wait3A_68, %dma_wait3A_81, %dma_wait3A_82] : memref<4x200x64xf32, #tpu.memory_space<vmem>> -> memref<1x200x64xf32, #tpu.memory_space<vmem>>
    %dma_wait3A_84 = tpu.memref_squeeze %dma_wait3A_83 : memref<1x200x64xf32, #tpu.memory_space<vmem>> -> memref<200x64xf32, #tpu.memory_space<vmem>>
    tpu.wait_dma2 semaphore(%arg13 : memref<!tpu.dma_semaphore, #tpu.memory_space<semaphore_mem>>) src(%dma_wait3A_84 : memref<200x64xf32, #tpu.memory_space<vmem>>) dst(%dma_wait3A_80 : memref<200x64xf32, #tpu.memory_space<hbm>>)
    %add3A_85 = arith.constant 127 : i32
    %add3A_86 = arith.addi %mul3A_4, %add3A_85 : i32
    %dma_wait3A_87 = arith.constant 3 : i32
    %dma_wait3A_88 = arith.constant 0 : i32
    %dma_wait3A_89 = arith.constant 0 : i32
    %dma_wait3A_90 = tpu.memref_slice %arg6[%dma_wait3A_87, %dma_wait3A_88, %dma_wait3A_89] : memref<4x200x64xf32, #tpu.memory_space<vmem>> -> memref<1x200x64xf32, #tpu.memory_space<vmem>>
    %dma_wait3A_91 = tpu.memref_squeeze %dma_wait3A_90 : memref<1x200x64xf32, #tpu.memory_space<vmem>> -> memref<200x64xf32, #tpu.memory_space<vmem>>
    %dma_wait3A_92 = arith.constant 0 : i32
    %dma_wait3A_93 = arith.constant 0 : i32
    %dma_wait3A_94 = tpu.memref_slice %arg4[%add3A_86, %dma_wait3A_92, %dma_wait3A_93] : memref<4096x200x128xf32, #tpu.memory_space<hbm>> -> memref<1x200x64xf32, #tpu.memory_space<hbm>>
    %dma_wait3A_95 = tpu.memref_squeeze %dma_wait3A_94 : memref<1x200x64xf32, #tpu.memory_space<hbm>> -> memref<200x64xf32, #tpu.memory_space<hbm>>
    %dma_wait3A_96 = arith.constant 0 : i32
    %dma_wait3A_97 = arith.constant 0 : i32
    %dma_wait3A_98 = tpu.memref_slice %arg4[%add3A_86, %dma_wait3A_96, %dma_wait3A_97] : memref<4096x200x128xf32, #tpu.memory_space<hbm>> -> memref<1x200x64xf32, #tpu.memory_space<hbm>>
    %dma_wait3A_99 = tpu.memref_squeeze %dma_wait3A_98 : memref<1x200x64xf32, #tpu.memory_space<hbm>> -> memref<200x64xf32, #tpu.memory_space<hbm>>
    %dma_wait3A_100 = arith.constant 0 : i32
    %dma_wait3A_101 = arith.constant 0 : i32
    %dma_wait3A_102 = tpu.memref_slice %arg6[%dma_wait3A_87, %dma_wait3A_100, %dma_wait3A_101] : memref<4x200x64xf32, #tpu.memory_space<vmem>> -> memref<1x200x64xf32, #tpu.memory_space<vmem>>
    %dma_wait3A_103 = tpu.memref_squeeze %dma_wait3A_102 : memref<1x200x64xf32, #tpu.memory_space<vmem>> -> memref<200x64xf32, #tpu.memory_space<vmem>>
    tpu.wait_dma2 semaphore(%arg14 : memref<!tpu.dma_semaphore, #tpu.memory_space<semaphore_mem>>) src(%dma_wait3A_103 : memref<200x64xf32, #tpu.memory_space<vmem>>) dst(%dma_wait3A_99 : memref<200x64xf32, #tpu.memory_space<hbm>>)
    return
  }
}

</mosaic_0001>

<sc_bundles>
// kernel: kernel.3.cloned.1.call-start
scs
__scs_entry_jumppad:
0x0: {  	(pc) =	sbr.rel $0x88, $3  }
0x1: {  	(tag) =	ssettag $0x0;
	lr =	simm.s32 $0x1  }
0x2: {  	[smem:$0x3F9F] =	sst lr;
	_ =	strace $0xD0000000  }
0x3: {  	_ = 	snop  }
0x4: {  	_ = 	snop  }
0x5: {  	_ = 	snop  }
0x6: {  	_ = 	snop  }
0x7: {  	_ = 	snop  }
__scs_overlays_trampoline_lowered:
0x8: {  	[smem:$0x3FAE] =	sst s0  }
0x9: {  	[smem:$0x3FAF] =	sst s1  }
0xa: {  	[smem:$0x3FB0] =	sst s2  }
0xb: {  	[smem:$0x3FB1] =	sst s3  }
0xc: {  	[smem:$0x3FB2] =	sst s4  }
0xd: {  	[smem:$0x3FB3] =	sst s5  }
0xe: {  	[smem:$0x3FB4] =	sst s6  }
0xf: {  	[smem:$0x3FB5] =	sst s7  }
0x10: {  	[smem:$0x3FB6] =	sst s8  }
0x11: {  	[smem:$0x3FB7] =	sst s9;
	s0 =	simm.s32 @!p0 $0x0  }
0x12: {  	s1 =	sld [smem:$0x3F9D];
	s0 =	simm.s32 @p0 $0x1  }
0x13: {  	[smem:$0x3FB8] =	sst s0;
	s0 =	simm.s32 @!p1 $0x0  }
0x14: {  	s2 =	sld [smem:$0x3F9C];
	s0 =	simm.s32 @p1 $0x1  }
0x15: {  	[smem:$0x3FB9] =	sst s0;
	s0 =	simm.s32 @!p2 $0x0  }
0x16: {  	s3 =	sld [smem:$0x3FDB];
	s0 =	simm.s32 @p2 $0x1  }
0x17: {  	s4 =	simm.s32 $0x1BF5;
	[smem:$0x3FBB] =	sst s0  }
0x18: {  	s0 =	sld [smem:$0x3F9E];
	_ =	swait.ge [sflag:s4], $0x0  }
0x19: {  	s7 =	sld [smem:$0x3F9F]  }
0x1a: {  	s8 =	sadd.s32 $0xFFFFE003, lr  }
0x1b: {  	s9 =	sadd.s32 $0xFFFFFEF7, lr;
	s5 =	simm.s32 $0xFFFFFFFF;
	p2 =	slt.u32 s8, $0xFFFFF086  }
0x1c: {  	p1 =	slt.u32 s9, $0xF7A;
	s5 =	simm.s32 @!p2 $0x0  }
0x1d: {  	s5 =	simm.s32 @p1 $0x1;
	p0 =	seq.s32 s7, s2  }
0x1e: {  	s7 =	smul.u32 @!p0 $0xF7A, s2;
	p2 =	seq.s32 @!p0 s5, $0x0  }
0x1f: {  	s9 =	smul.u32 $0xF7A, s1;
	s8 =	simm.s32 @!p0 $0x1BF5;
	p2 =	por !p2, p0  }
0x20: {  	[sflag:s8] =	ssyncset.s32 @!p0 $0xFFFFF086;
	s6 =	sadd.s32 @!p0 s3, s7;
	s7 =	simm.s32 @!p0 $0x108  }
0x21: {  	s3 =	sadd.s32 s3, s9;
	s6 =	sadd.s32 @!p0 $0x88, s6;
	s7 =	simm.s32 @p2 $0x1082  }
0x22: {  	[simem:s7], [sflag:s8] =	dma.local @!p0 [hbm:s6], $0xF7A  }
0x23: {  	s9 =	sor.u32 $0xD0000000, s2;
	s6 =	simm.s32 $0x108;
	_ =	swait.ge @!p0 [sflag:s8], $0x0  }
0x24: {  	s3 =	sadd.s32 $0x88, s3;
	s6 =	simm.s32 @!p1 $0x1082;
	[sflag:s4] =	ssyncset.s32 $0xFFFFF086  }
0x25: {  	[simem:s6], [sflag:s4] =	dma.local [hbm:s3], $0xF7A  }
0x26: {  	[smem:$0x3F9F] =	sst s1;
	(tag) =	ssettag s2;
	_ =	strace s9  }
0x27: {  	s1 =	sld [smem:$0x3FAF]  }
0x28: {  	s2 =	sld [smem:$0x3FB0]  }
0x29: {  	s4 =	sld [smem:$0x3FB2]  }
0x2a: {  	p0 =	seq.s32 s5, $0x0;
	s5 =	sld [smem:$0x3FB3]  }
0x2b: {  	s6 =	sld [smem:$0x3FB4]  }
0x2c: {  	s7 =	sld [smem:$0x3FB5]  }
0x2d: {  	s3 =	simm.s32 $0x108;
	s8 =	sld [smem:$0x3FB6]  }
0x2e: {  	s3 =	simm.s32 @!p0 $0x1082;
	s9 =	sld [smem:$0x3FB7]  }
0x2f: {  	lr =	sadd.s32 s0, s3;
	s0 =	sld [smem:$0x3FAE]  }
0x30: {  	s3 =	sld [smem:$0x3FB1]  }
0x31: {  	[smem:$0x3FBA] =	sst s10  }
0x32: {  	s10 =	sld [smem:$0x3FB8];
	_ =	sdelay $0x3  }
0x33: {  	p0 =	seq.s32 s10, $0x1;
	s10 =	sld [smem:$0x3FBA];
	_ =	sdelay $0x3  }
0x34: {  	[smem:$0x3FBA] =	sst s10  }
0x35: {  	s10 =	sld [smem:$0x3FB9];
	_ =	sdelay $0x3  }
0x36: {  	p1 =	seq.s32 s10, $0x1;
	s10 =	sld [smem:$0x3FBA];
	_ =	sdelay $0x3  }
0x37: {  	[smem:$0x3FBA] =	sst s10  }
0x38: {  	s10 =	sld [smem:$0x3FBB]  }
0x39: {  	_ = 	snop;
	(pc) =	sbr.ind lr, $3  }
0x3a: {  	_ = 	snop  }
0x3b: {  	_ = 	snop  }
0x3c: {  	p2 =	seq.s32 s10, $0x1;
	s10 =	sld [smem:$0x3FBA]  }
0x3d: {  	_ =	shalt  }
0x3e: {  	_ =	shalt  }
0x3f: {  	_ =	shalt  }
0x40: {  	_ =	shalt  }
0x41: {  	_ =	shalt  }
0x42: {  	_ =	shalt  }
0x43: {  	_ =	shalt  }
0x44: {  	_ =	shalt  }
0x45: {  	_ =	shalt  }
0x46: {  	_ =	shalt  }
0x47: {  	_ =	shalt  }
0x48: {  	_ =	shalt  }
0x49: {  	_ =	shalt  }
0x4a: {  	_ =	shalt  }
0x4b: {  	_ =	shalt  }
0x4c: {  	_ =	shalt  }
0x4d: {  	_ =	shalt  }
0x4e: {  	_ =	shalt  }
0x4f: {  	_ =	shalt  }
0x50: {  	_ =	shalt  }
0x51: {  	_ =	shalt  }
0x52: {  	_ =	shalt  }
0x53: {  	_ =	shalt  }
0x54: {  	_ =	shalt  }
0x55: {  	_ =	shalt  }
0x56: {  	_ =	shalt  }
0x57: {  	_ =	shalt  }
0x58: {  	_ =	shalt  }
0x59: {  	_ =	shalt  }
0x5a: {  	_ =	shalt  }
0x5b: {  	_ =	shalt  }
0x5c: {  	_ =	shalt  }
0x5d: {  	_ =	shalt  }
0x5e: {  	_ =	shalt  }
0x5f: {  	_ =	shalt  }
0x60: {  	_ =	shalt  }
0x61: {  	_ =	shalt  }
0x62: {  	_ =	shalt  }
0x63: {  	_ =	shalt  }
0x64: {  	_ =	shalt  }
0x65: {  	_ =	shalt  }
0x66: {  	_ =	shalt  }
0x67: {  	_ =	shalt  }
0x68: {  	_ =	shalt  }
0x69: {  	_ =	shalt  }
0x6a: {  	_ =	shalt  }
0x6b: {  	_ =	shalt  }
0x6c: {  	_ =	shalt  }
0x6d: {  	_ =	shalt  }
0x6e: {  	_ =	shalt  }
0x6f: {  	_ =	shalt  }
0x70: {  	_ =	shalt  }
0x71: {  	_ =	shalt  }
0x72: {  	_ =	shalt  }
0x73: {  	_ =	shalt  }
0x74: {  	_ =	shalt  }
0x75: {  	_ =	shalt  }
0x76: {  	_ =	shalt  }
0x77: {  	_ =	shalt  }
0x78: {  	_ =	shalt  }
0x79: {  	_ =	shalt  }
0x7a: {  	_ =	shalt  }
0x7b: {  	_ =	shalt  }
0x7c: {  	_ =	shalt  }
0x7d: {  	_ =	shalt  }
0x7e: {  	_ =	shalt  }
0x7f: {  	_ =	shalt  }
0x80: {  	_ =	shalt  }
0x81: {  	_ =	shalt  }
0x82: {  	_ =	shalt  }
0x83: {  	_ =	shalt  }
0x84: {  	_ =	shalt  }
0x85: {  	_ =	shalt  }
0x86: {  	_ =	shalt  }
0x87: {  	_ =	shalt  }
.Lfunc_end0:
.L_simem_size_0:
called_computation.1_lowered:
.L_overlay_start_0:
0x88: {  	s2 =	sld [smem:$0x3FD9]  }
0x89: {  	s3 =	sld [smem:$0x3FFE];
	_ =	sdelay $0x1  }
0x8a: {  	s1 =	srdreg.scid  }
0x8b: {  	s0 =	sand.u32 $0x1, s1  }
0x8c: {  	s17 =	sshll.u32 s0, $0xA;
	s2 =	sadd.s32 s3, s2  }
0x8d: {  	s2 =	sadd.s32 s2, s17  }
0x8e: {  	[smem:$0x3FC6] =	sst s2  }
0x8f: {  	_ = 	snop  }
0x90: {  	s2 =	sld [smem:$0x3FD0];
	(tm) =	ssettm $0x1  }
0x91: {  	s18 =	sld [smem:$0x3FFB];
	_ =	sdelay $0x3  }
0x92: {  	_ =	strace s18  }
0x93: {  	s3 =	sld [smem:$0x3FFC];
	_ =	sdelay $0x3  }
0x94: {  	_ =	strace s3  }
0x95: {  	s3 =	sld [smem:$0x3FFD];
	_ =	sdelay $0x3  }
0x96: {  	_ =	strace s3  }
0x97: {  	_ =	strace $0x8FFFFFFF  }
0x98: {  	s19 =	sld [smem:$0x3FDB];
	_ =	sdelay $0x1  }
0x99: {  	s4 =	simm.s32 $_scs_section_size  }
0x9a: {  	s5 =	simm.s32 $_size__tile_overlayer_lowered;
	s6 =	simm.s32 $_tile_overlayer_lowered  }
0x9b: {  	s22 =	simm.s32 $0x1BFF;
	s21 =	sshll.u32 s6, $0x1;
	s3 =	sadd.s32 s4, s19  }
0x9c: {  	s7 =	simm.s32 $0x0;
	s20 =	sshll.u32 s5, $0x1;
	s5 =	sadd.s32 s21, s3  }
0x9d: {  	[timem:s7], [sflag:s22] =	dma.local [hbm:s5], s20  }
0x9e: {  	_ =	swait.ge [sflag:s22], s20  }
0x9f: {  	s4 =	ssub.s32 $0x0, s20;
	[sflag:s22] =	ssyncset.done $0x0  }
0xa0: {  	[sflag:s22] =	ssyncadd.s32 s4;
	_ =	sdelay $0x1  }
0xa1: {  	s23 =	simm.s32 $0x1B8B  }
0xa2: {  	_ =	swait.ge [sflag:s23], $0x1  }
0xa3: {  	[sflag:s23] =	ssyncset.done $0x0  }
0xa4: {  	s25 =	simm.s32 $0x1B8E;
	s24 =	sld [smem:$0x3FFE];
	[sflag:s23] =	ssyncadd.s32 $0xFFFFFFFF  }
0xa5: {  	s26 =	simm.s32 $execute0_lowered;
	[smem:$0x3FD2] =	sst s25  }
0xa6: {  	s5 =	sshll.u32 s26, $0x1;
	_ =	strace $0x80000046;
	[dreg:$0x1] =	wrdreg $0xFFFFFFFF  }
0xa7: {  	s28 =	simm.s32 $_size_execute0_lowered;
	s3 =	sadd.s32 s3, s5;
	[dreg:$0x0] =	wrdreg $0x0  }
0xa8: {  	s5 =	sshll.u32 s28, $0x1;
	[dreg:$0x2] =	wrdreg s3  }
0xa9: {  	[dreg:$0x3] =	wrdreg s5  }
0xaa: {  	[dreg:$0x4] =	wrdreg $0xC0  }
0xab: {  	_ =	task [dreg:s7], $0x5FFFF  }
0xac: {  	[dreg:$0x1] =	wrdreg $0xFFFFFFFF  }
0xad: {  	[dreg:$0x0] =	wrdreg $0x60  }
0xae: {  	[dreg:$0x2] =	wrdreg s2  }
0xaf: {  	[dreg:$0x3] =	wrdreg s24  }
0xb0: {  	[dreg:$0x4] =	wrdreg $0x9  }
0xb1: {  	_ =	task.clear_ibuf [dreg:s7], $0x5FFFF;
	_ =	strace $0x90000046  }
0xb2: {  	s29 =	simm.s32 $0x9;
	_ =	strace $0x80000048  }
0xb3: {  	_ =	swait.ge [sflag:s29], $0x1  }
0xb4: {  	[sflag:s29] =	ssyncadd.s32 $0xFFFFFFFF  }
0xb5: {  	_ =	strace $0x90000048  }
0xb6: {  	_ =	sfence  }
0xb7: {  	s30 =	sld [smem:$0x0];
	_ =	sdelay $0x2  }
0xb8: {  	s31 =	sshll.u32 s1, $0xD;
	s1 =	sshrl.u32 s1, $0x2  }
0xb9: {  	s3 =	sand.u32 $0x4000, s31;
	s1 =	sadd.s32 s1, s30  }
0xba: {  	s0 =	sor.u32 s3, s0;
	s1 =	sshll.u32 s1, $0x11  }
0xbb: {  	s0 =	sor.u32 s1, s0  }
0xbc: {  	s0 =	sadd.s32 $0x8F2B, s0  }
0xbd: {  	[sflag:s0] =	ssyncadd.remote.s32 $0x1  }
0xbe: {  	_ =	sfence.sel $0xFFFF  }
0xbf: {  	[dreg:$0x0] =	wrdreg $0xFFFFFFFF;
	(pc) =	sbr.abs _section_cstart, $3  }
0xc0: {  	[dreg:$0x1] =	wrdreg $0xFFFFFFFF  }
0xc1: {  	_ =	task.clear_ibuf [dreg:s7], $0x2FFFF;
	_ =	strace $0x9FFFFFFF  }
0xc2: {  	(tm) =	ssettm $0x7FFFFFFF  }
0xc3: {  	_ =	shalt  }
tec
execute0_lowered:
.L_overlay_start_1:
0x0: {  	(tag) =	ssettag $0x1  }
0x1: {  	s4 =	rddreg [dreg:$0x0]  }
0x2: {  	s5 =	rddreg [dreg:$0x1];
	s1 =	simm.s32 $0x0  }
0x3: {  	s3 =	srdreg.scid;
	s0 =	stileid.u32;
	s11 =	simm.s32 $0xC800  }
0x4: {  	s12 =	simm.s32 $0x40;
	s13 =	simm.s32 $0x80;
	s14 =	simm.s32 $0xFA00  }
0x5: {  	s15 =	simm.s32 $0x2;
	s16 =	simm.s32 $0x4;
	s17 =	simm.s32 $0x5  }
0x6: {  	s18 =	simm.s32 $0x6;
	s19 =	simm.s32 $0x7;
	s20 =	simm.s32 $0x8  }
0x7: {  	s21 =	simm.s32 $0x0;
	[smem:$0x7FF] =	sst s1;
	s6 =	sand.u32 $0x1, s3  }
0x8: {  	s23 =	sshll.u32 s0, $0x1;
	s3 =	sadd.s32 $0xF42E00, s5;
	s26 =	smul.u32 $0xC8000, s0  }
0x9: {  	s7 =	sor.u32 s6, s23;
	s8 =	ssub.s32 $0x2, s6;
	s6 =	smul.u32 $0x64000, s6  }
0xa: {  	s10 =	sadd.s32 $0xA00, s5;
	_ =	strace $0x80000047;
	s9 =	smul.u32 $0x64000, s7  }
0xb: {  	[dreg:$0x3] =	wrdreg s11;
	s24 =	sshrl.u32 s8, $0x1;
	s7 =	smul.u32 $0xC80, s7  }
0xc: {  	s11 =	simm.s32 $0x1;
	s31 =	sadd.s32 s26, s10;
	s5 =	ssub.s32 s8, s24  }
0xd: {  	s6 =	sadd.s32 s6, s31;
	s8 =	simm.s32 $0xC8;
	s28 =	sadd.s32 s4, s7  }
0xe: {  	s25 =	sadd.s32 s9, s10;
	s30 =	smax.u32 s5, $0x1;
	[dreg:$0x5] =	wrdreg s28  }
0xf: {  	s7 =	simm.s32 $0x9;
	s29 =	sadd.s32 $0x62700, s25;
	[dreg:$0x6] =	wrdreg s30  }
0x10: {  	s9 =	simm.s32 $0x6400;
	s10 =	simm.s32 $0x9600;
	[dreg:$0x4] =	wrdreg s29  }
.LBB2_1:
0x11: {  	s0 =	simm.s32 $0x0;
	s1 =	rddreg [dreg:$0x5]  }
0x12: {  	[tilespmem:s0], [sflag:$0x9] =	stream.linear.gather [hbm4b:s1+s0], $0x6400, $0x38;
	[tilespmem:$0x12C00] =	vst v63  }
0x13: {  	_ =	swait.ge [sflag:s7], $0x6400  }
0x14: {  	[sflag:s7] =	ssyncset.done $0x0  }
0x15: {  	p0 =	por $0x1, $0x1;
	[sflag:s7] =	ssyncadd.s32 $0xFFFF9C00  }
0x16: {  	[tilespmem:s9], [sflag:$0x1] =	stream.indirect.gather [hbm4b:s3+s8], $0x40, s0, s8, $0xb8;
	[tilespmem:$0x12C00] =	vst v63  }
0x17: {  	s22 =	simm.s32 @!p0 $0x7  }
0x18: {  	[tilespmem:s10], [sflag:$0x2] =	stream.indirect.gather [hbm4b:s3+s8], $0x40, s8, s8, $0xb8;
	[tilespmem:$0x12C00] =	vst v63  }
0x19: {  	_ =	swait.ge @!p0 [sflag:s22], $0x3200  }
0x1a: {  	[sflag:s22] =	ssyncset.done @!p0 $0x0  }
0x1b: {  	s29 =	simm.s32 $0x190;
	s23 =	rddreg [dreg:$0x3];
	[sflag:s22] =	ssyncadd.s32 @!p0 $0xFFFFCE00  }
0x1c: {  	[tilespmem:s23], [sflag:$0x3] =	stream.indirect.gather [hbm4b:s3+s8], $0x40, s29, s8, $0xb8;
	[tilespmem:$0x12C00] =	vst v63  }
0x1d: {  	_ =	swait.ge [sflag:s11], $0x3200  }
0x1e: {  	[sflag:s11] =	ssyncset.done $0x0  }
0x1f: {  	s22 =	simm.s32 @!p0 $0x8;
	[sflag:s11] =	ssyncadd.s32 $0xFFFFCE00  }
0x20: {  	[hbm4b:s6+s12] =	stream.strided.scatter [tilespmem:s9], [sflag:$0x5], $0x3200, s13, s12, $0x38;
	[tilespmem:$0x12C00] =	vst v63  }
0x21: {  	_ =	swait.ge @!p0 [sflag:s22], $0x3200  }
0x22: {  	[sflag:s22] =	ssyncset.done @!p0 $0x0  }
0x23: {  	s30 =	simm.s32 $0x258;
	[sflag:s22] =	ssyncadd.s32 @!p0 $0xFFFFCE00  }
0x24: {  	[tilespmem:s14], [sflag:$0x4] =	stream.indirect.gather [hbm4b:s3+s8], $0x40, s30, s8, $0xb8;
	[tilespmem:$0x12C00] =	vst v63  }
0x25: {  	_ =	swait.ge [sflag:s15], $0x3200  }
0x26: {  	p0 =	por $0x0, $0x0;
	[sflag:s15] =	ssyncset.done $0x0  }
0x27: {  	s31 =	sadd.s32 $0xC80, s6;
	s23 =	simm.s32 @p0 $0x3;
	[sflag:s15] =	ssyncadd.s32 $0xFFFFCE00  }
0x28: {  	[hbm4b:s31+s12] =	stream.strided.scatter [tilespmem:s10], [sflag:$0x6], $0x3200, s13, s12, $0x38;
	[tilespmem:$0x12C00] =	vst v63  }
0x29: {  	s24 =	simm.s32 @p0 $0xC800;
	_ =	swait.ge @p0 [sflag:s23], $0x3200  }
0x2a: {  	s25 =	simm.s32 @p0 $0x80;
	s26 =	simm.s32 @!p0 $0x5;
	[sflag:s23] =	ssyncset.done @p0 $0x0  }
0x2b: {  	s22 =	rddreg [dreg:$0x4];
	[sflag:s23] =	ssyncadd.s32 @p0 $0xFFFFCE00;
	s23 =	simm.s32 @p0 $0x40  }
0x2c: {  	[hbm4b:s22+s23] =	stream.strided.scatter @p0 [tilespmem:s24], [sflag:$0x7], $0x3200, s25, s23, $0x38;
	[tilespmem:$0x12C00] =	vst v63  }
0x2d: {  	_ =	swait.ge @!p0 [sflag:s26], $0x3200  }
0x2e: {  	s22 =	simm.s32 @!p0 $0x320;
	s25 =	simm.s32 @!p0 $0xC8;
	[sflag:s26] =	ssyncset.done @!p0 $0x0  }
0x2f: {  	s23 =	simm.s32 @!p0 $0x6400;
	s24 =	simm.s32 @!p0 $0x3;
	[sflag:s26] =	ssyncadd.s32 @!p0 $0xFFFFCE00  }
0x30: {  	[tilespmem:s23], [sflag:$0x1] =	stream.indirect.gather @!p0 [hbm4b:s3+s25], $0x40, s22, s25, $0xb8;
	[tilespmem:$0x12C00] =	vst v63  }
0x31: {  	s28 =	simm.s32 @!p0 $0x40;
	_ =	swait.ge @!p0 [sflag:s24], $0x3200  }
0x32: {  	s29 =	simm.s32 @!p0 $0x6;
	s26 =	sadd.s32 @!p0 $0x1900, s6;
	[sflag:s24] =	ssyncset.done @!p0 $0x0  }
0x33: {  	s22 =	simm.s32 @!p0 $0x80;
	s23 =	simm.s32 @!p0 $0xC800;
	[sflag:s24] =	ssyncadd.s32 @!p0 $0xFFFFCE00  }
0x34: {  	[hbm4b:s26+s28] =	stream.strided.scatter @!p0 [tilespmem:s23], [sflag:$0x7], $0x3200, s22, s28, $0x38;
	[tilespmem:$0x12C00] =	vst v63  }
0x35: {  	_ =	swait.ge @!p0 [sflag:s29], $0x3200  }
0x36: {  	p1 =	por $0x0, $0x0;
	s23 =	sadd.s32 $0x3200, s6;
	[sflag:s29] =	ssyncset.done @!p0 $0x0  }
0x37: {  	s22 =	simm.s32 @!p0 $0x3E8;
	s26 =	simm.s32 @!p0 $0x9600;
	[sflag:s29] =	ssyncadd.s32 @!p0 $0xFFFFCE00  }
0x38: {  	[tilespmem:s26], [sflag:$0x2] =	stream.indirect.gather @!p0 [hbm4b:s3+s25], $0x40, s22, s25, $0xb8;
	[tilespmem:$0x12C00] =	vst v63  }
0x39: {  	s24 =	simm.s32 $0xC80;
	s28 =	sadd.s32 $0x3200, s23;
	s25 =	sadd.s32 $0x2580, s6  }
0x3a: {  	s26 =	simm.s32 $0x1900;
	s22 =	sadd.s32 $0x2580, s23;
	_ =	swait.ge [sflag:s16], $0x3200  }
.LBB2_2:
0x3b: {  	[sflag:s16] =	ssyncset.done $0x0  }
0x3c: {  	s30 =	simm.s32 @!p1 $0x7;
	[sflag:s16] =	ssyncadd.s32 $0xFFFFCE00  }
0x3d: {  	[hbm4b:s25+s12] =	stream.strided.scatter [tilespmem:s14], [sflag:$0x8], $0x3200, s13, s12, $0x38;
	[tilespmem:$0x12C00] =	vst v63  }
0x3e: {  	_ =	swait.ge @!p1 [sflag:s30], $0x3200  }
0x3f: {  	s2 =	sshra.s32 s24, $0x2;
	[sflag:s30] =	ssyncset.done @!p1 $0x0  }
0x40: {  	s4 =	sadd.s32 $0x190, s2;
	s0 =	rddreg [dreg:$0x3];
	[sflag:s30] =	ssyncadd.s32 @!p1 $0xFFFFCE00  }
0x41: {  	[tilespmem:s0], [sflag:$0x3] =	stream.indirect.gather [hbm4b:s3+s8], $0x40, s4, s8, $0xb8;
	[tilespmem:$0x12C00] =	vst v63  }
0x42: {  	_ =	swait.ge [sflag:s11], $0x3200  }
0x43: {  	[sflag:s11] =	ssyncset.done $0x0  }
0x44: {  	s0 =	simm.s32 @!p1 $0x8;
	[sflag:s11] =	ssyncadd.s32 $0xFFFFCE00  }
0x45: {  	[hbm4b:s23+s12] =	stream.strided.scatter [tilespmem:s9], [sflag:$0x5], $0x3200, s13, s12, $0x38;
	[tilespmem:$0x12C00] =	vst v63  }
0x46: {  	_ =	swait.ge @!p1 [sflag:s0], $0x3200  }
0x47: {  	s29 =	smov.u32 s26;
	[sflag:s0] =	ssyncset.done @!p1 $0x0  }
0x48: {  	s26 =	sadd.s32 $0xC80, s26;
	s5 =	sadd.s32 $0x258, s2;
	[sflag:s0] =	ssyncadd.s32 @!p1 $0xFFFFCE00  }
0x49: {  	[tilespmem:s14], [sflag:$0x4] =	stream.indirect.gather [hbm4b:s3+s8], $0x40, s5, s8, $0xb8;
	[tilespmem:$0x12C00] =	vst v63  }
0x4a: {  	s31 =	sadd.s32 $0x2580, s28;
	s25 =	smov.u32 s22;
	_ =	swait.ge [sflag:s15], $0x3200  }
0x4b: {  	s22 =	smov.u32 s31;
	p1 =	seq.s32 s24, $0x18380;
	[sflag:s15] =	ssyncset.done $0x0  }
0x4c: {  	s31 =	sadd.s32 $0xC80, s23;
	s30 =	simm.s32 @p1 $0x3;
	[sflag:s15] =	ssyncadd.s32 $0xFFFFCE00  }
0x4d: {  	[hbm4b:s31+s12] =	stream.strided.scatter [tilespmem:s10], [sflag:$0x6], $0x3200, s13, s12, $0x38;
	[tilespmem:$0x12C00] =	vst v63  }
0x4e: {  	s24 =	sshra.s32 @!p1 s24, $0x2;
	s1 =	simm.s32 @p1 $0xC800;
	_ =	swait.ge @p1 [sflag:s30], $0x3200  }
0x4f: {  	s4 =	simm.s32 @p1 $0x80;
	s5 =	simm.s32 @!p1 $0x5;
	[sflag:s30] =	ssyncset.done @p1 $0x0  }
0x50: {  	s2 =	rddreg [dreg:$0x4];
	[sflag:s30] =	ssyncadd.s32 @p1 $0xFFFFCE00;
	s30 =	simm.s32 @p1 $0x40  }
0x51: {  	[hbm4b:s2+s30] =	stream.strided.scatter @p1 [tilespmem:s1], [sflag:$0x7], $0x3200, s4, s30, $0x38;
	[tilespmem:$0x12C00] =	vst v63  }
0x52: {  	p0 =	sne.s32 s26, $0x19000;
	s0 =	sadd.s32 @!p1 $0x320, s24;
	_ =	swait.ge @!p1 [sflag:s5], $0x3200  }
0x53: {  	s31 =	sadd.s32 @!p1 $0x3E8, s24;
	s1 =	simm.s32 @!p1 $0xC8;
	[sflag:s5] =	ssyncset.done @!p1 $0x0  }
0x54: {  	s2 =	simm.s32 @!p1 $0x6400;
	s4 =	simm.s32 @!p1 $0x3;
	[sflag:s5] =	ssyncadd.s32 @!p1 $0xFFFFCE00  }
0x55: {  	[tilespmem:s2], [sflag:$0x1] =	stream.indirect.gather @!p1 [hbm4b:s3+s1], $0x40, s0, s1, $0xb8;
	[tilespmem:$0x12C00] =	vst v63  }
0x56: {  	s24 =	smov.u32 s29;
	s29 =	simm.s32 @!p1 $0x40;
	_ =	swait.ge @!p1 [sflag:s4], $0x3200  }
0x57: {  	s5 =	sadd.s32 @!p1 $0x1900, s23;
	s0 =	simm.s32 @!p1 $0x80;
	[sflag:s4] =	ssyncset.done @!p1 $0x0  }
0x58: {  	s2 =	simm.s32 @!p1 $0xC800;
	[sflag:s4] =	ssyncadd.s32 @!p1 $0xFFFFCE00;
	s4 =	simm.s32 @!p1 $0x6  }
0x59: {  	[hbm4b:s5+s29] =	stream.strided.scatter @!p1 [tilespmem:s2], [sflag:$0x7], $0x3200, s0, s29, $0x38;
	[tilespmem:$0x12C00] =	vst v63  }
.Ltmp0:
0x5a: {  	_ =	swait.ge @!p1 [sflag:s4], $0x3200;
	(pc) =	sbr.rel @p0 .LBB2_2-.Ltmp0, $4  }
0x5b: {  	[sflag:s4] =	ssyncset.done @!p1 $0x0  }
0x5c: {  	s23 =	smov.u32 s28;
	s0 =	simm.s32 @!p1 $0x9600;
	[sflag:s4] =	ssyncadd.s32 @!p1 $0xFFFFCE00  }
0x5d: {  	[tilespmem:s0], [sflag:$0x2] =	stream.indirect.gather @!p1 [hbm4b:s3+s1], $0x40, s31, s1, $0xb8;
	[tilespmem:$0x12C00] =	vst v63  }
0x5e: {  	s28 =	sadd.s32 $0x3200, s28;
	p1 =	seq.s32 s24, $0x0;
	_ =	swait.ge [sflag:s16], $0x3200  }
0x5f: {  	[sflag:s16] =	ssyncset.done $0x0  }
0x60: {  	s0 =	simm.s32 @!p1 $0x7;
	[sflag:s16] =	ssyncadd.s32 $0xFFFFCE00  }
0x61: {  	[hbm4b:s25+s12] =	stream.strided.scatter [tilespmem:s14], [sflag:$0x8], $0x3200, s13, s12, $0x38;
	[tilespmem:$0x12C00] =	vst v63  }
0x62: {  	_ =	swait.ge @!p1 [sflag:s0], $0x3200  }
0x63: {  	s2 =	sshra.s32 s24, $0x2;
	[sflag:s0] =	ssyncset.done @!p1 $0x0  }
0x64: {  	s28 =	sadd.s32 $0x190, s2;
	s1 =	rddreg [dreg:$0x3];
	[sflag:s0] =	ssyncadd.s32 @!p1 $0xFFFFCE00  }
0x65: {  	[tilespmem:s1], [sflag:$0x3] =	stream.indirect.gather [hbm4b:s3+s8], $0x40, s28, s8, $0xb8;
	[tilespmem:$0x12C00] =	vst v63  }
0x66: {  	_ =	swait.ge [sflag:s11], $0x3200  }
0x67: {  	[sflag:s11] =	ssyncset.done $0x0  }
0x68: {  	s0 =	simm.s32 @!p1 $0x8;
	[sflag:s11] =	ssyncadd.s32 $0xFFFFCE00  }
0x69: {  	[hbm4b:s23+s12] =	stream.strided.scatter [tilespmem:s9], [sflag:$0x5], $0x3200, s13, s12, $0x38;
	[tilespmem:$0x12C00] =	vst v63  }
0x6a: {  	_ =	swait.ge @!p1 [sflag:s0], $0x3200  }
0x6b: {  	[sflag:s0] =	ssyncset.done @!p1 $0x0  }
0x6c: {  	s29 =	sadd.s32 $0x258, s2;
	[sflag:s0] =	ssyncadd.s32 @!p1 $0xFFFFCE00  }
0x6d: {  	[tilespmem:s14], [sflag:$0x4] =	stream.indirect.gather [hbm4b:s3+s8], $0x40, s29, s8, $0xb8;
	[tilespmem:$0x12C00] =	vst v63  }
0x6e: {  	_ =	swait.ge [sflag:s15], $0x3200  }
0x6f: {  	p0 =	seq.s32 s24, $0x18380;
	[sflag:s15] =	ssyncset.done $0x0  }
0x70: {  	s30 =	sadd.s32 $0xC80, s23;
	s1 =	simm.s32 @p0 $0x3;
	[sflag:s15] =	ssyncadd.s32 $0xFFFFCE00  }
0x71: {  	[hbm4b:s30+s12] =	stream.strided.scatter [tilespmem:s10], [sflag:$0x6], $0x3200, s13, s12, $0x38;
	[tilespmem:$0x12C00] =	vst v63  }
0x72: {  	s2 =	simm.s32 @p0 $0xC800;
	_ =	swait.ge @p0 [sflag:s1], $0x3200  }
0x73: {  	s4 =	simm.s32 @p0 $0x80;
	s5 =	simm.s32 @!p0 $0x5;
	[sflag:s1] =	ssyncset.done @p0 $0x0  }
0x74: {  	s0 =	rddreg [dreg:$0x4];
	[sflag:s1] =	ssyncadd.s32 @p0 $0xFFFFCE00;
	s1 =	simm.s32 @p0 $0x40  }
0x75: {  	[hbm4b:s0+s1] =	stream.strided.scatter @p0 [tilespmem:s2], [sflag:$0x7], $0x3200, s4, s1, $0x38;
	[tilespmem:$0x12C00] =	vst v63  }
0x76: {  	s0 =	sshra.s32 @!p0 s24, $0x2;
	_ =	swait.ge @!p0 [sflag:s5], $0x3200  }
0x77: {  	s2 =	simm.s32 @!p0 $0xC8;
	s4 =	simm.s32 @!p0 $0x6400;
	[sflag:s5] =	ssyncset.done @!p0 $0x0  }
0x78: {  	s1 =	sadd.s32 @!p0 $0x320, s0;
	[sflag:s5] =	ssyncadd.s32 @!p0 $0xFFFFCE00;
	s5 =	simm.s32 @!p0 $0x3  }
0x79: {  	[tilespmem:s4], [sflag:$0x1] =	stream.indirect.gather @!p0 [hbm4b:s3+s2], $0x40, s1, s2, $0xb8;
	[tilespmem:$0x12C00] =	vst v63  }
0x7a: {  	s23 =	sadd.s32 @!p0 $0x1900, s23;
	_ =	swait.ge @!p0 [sflag:s5], $0x3200  }
0x7b: {  	s24 =	simm.s32 @!p0 $0x40;
	s1 =	simm.s32 @!p0 $0x80;
	[sflag:s5] =	ssyncset.done @!p0 $0x0  }
0x7c: {  	s4 =	simm.s32 @!p0 $0xC800;
	[sflag:s5] =	ssyncadd.s32 @!p0 $0xFFFFCE00;
	s5 =	simm.s32 @!p0 $0x6  }
0x7d: {  	[hbm4b:s23+s24] =	stream.strided.scatter @!p0 [tilespmem:s4], [sflag:$0x7], $0x3200, s1, s24, $0x38;
	[tilespmem:$0x12C00] =	vst v63  }
0x7e: {  	_ =	swait.ge @!p0 [sflag:s5], $0x3200  }
0x7f: {  	[sflag:s5] =	ssyncset.done @!p0 $0x0  }
0x80: {  	s0 =	sadd.s32 @!p0 $0x3E8, s0;
	s1 =	simm.s32 @!p0 $0x9600;
	[sflag:s5] =	ssyncadd.s32 @!p0 $0xFFFFCE00  }
0x81: {  	[tilespmem:s1], [sflag:$0x2] =	stream.indirect.gather @!p0 [hbm4b:s3+s2], $0x40, s0, s2, $0xb8;
	[tilespmem:$0x12C00] =	vst v63  }
0x82: {  	_ =	swait.ge [sflag:s16], $0x3200  }
0x83: {  	[sflag:s16] =	ssyncset.done $0x0  }
0x84: {  	[sflag:s16] =	ssyncadd.s32 $0xFFFFCE00  }
0x85: {  	[hbm4b:s22+s12] =	stream.strided.scatter [tilespmem:s14], [sflag:$0x8], $0x3200, s13, s12, $0x38;
	[tilespmem:$0x12C00] =	vst v63  }
0x86: {  	_ =	swait.ge [sflag:s17], $0x3200  }
0x87: {  	[sflag:s17] =	ssyncset.done $0x0  }
0x88: {  	[sflag:s17] =	ssyncadd.s32 $0xFFFFCE00  }
0x89: {  	_ =	swait.ge [sflag:s18], $0x3200  }
0x8a: {  	[sflag:s18] =	ssyncset.done $0x0  }
0x8b: {  	[sflag:s18] =	ssyncadd.s32 $0xFFFFCE00  }
0x8c: {  	_ =	swait.ge [sflag:s19], $0x3200  }
0x8d: {  	[sflag:s19] =	ssyncset.done $0x0  }
0x8e: {  	[sflag:s19] =	ssyncadd.s32 $0xFFFFCE00  }
0x8f: {  	_ =	swait.ge [sflag:s20], $0x3200  }
0x90: {  	s21 =	sadd.s32 $0x1, s21;
	s31 =	rddreg [dreg:$0x6]  }
0x91: {  	p0 =	sne.s32 s21, s31  }
.Ltmp1:
0x92: {  	_ = 	snop;
	(pc) =	sbr.rel @p0 .LBB2_1-.Ltmp1, $3  }
0x93: {  	_ =	sdelay $0x1  }
0x94: {  	[sflag:s20] =	ssyncset.done $0x0  }
0x95: {  	[sflag:s20] =	ssyncadd.s32 $0xFFFFCE00  }
0x96: {  	_ =	sfence.sel $0x180000  }
0x97: {  	[bflag:$0x0] =	sbarrier.arrive $0xFFFF  }
0x98: {  	_ =	strace $0x90000047  }
0x99: {  	s0 =	stileid.u32;
	[bflag:$0x2] =	sbarrier.arrive $0xFFFF  }
0x9a: {  	p0 =	sne.s32 s0, $0x0;
	s0 =	rddreg [dreg:$0x2]  }
0x9b: {  	s0 =	sadd.s32 @!p0 $0x100000, s0  }
0x9c: {  	[sflag:s0] =	ssyncadd.tile.s32 @!p0 $0x1;
	_ =	shalt  }
.Lfunc_end2:
_tile_overlayer_lowered:
.L_overlay_start_2:
0x9d: {  	(tag) =	ssettag $0x2  }
0x9e: {  	s0 =	rddreg [dreg:$0x0];
	s2 =	stileid.u32  }
0x9f: {  	s1 =	rddreg [dreg:$0x1];
	p0 =	sne.s32 s2, $0x0  }
0xa0: {  	s3 =	rddreg [dreg:$0x2];
	[bflag:$0x3] =	sbarrier.arrive $0xFFFF;
	s2 =	simm.s32 @!p0 $0x1C09  }
0xa1: {  	[timem:s3], [sflag:s2] =	dma.local @!p0 [hbm:s0], s1  }
0xa2: {  	s0 =	simm.s32 @!p0 $0x9  }
0xa3: {  	_ =	swait.ge @!p0 [sflag:s0], s1  }
0xa4: {  	s1 =	ssub.s32 @!p0 $0x0, s1;
	[sflag:s0] =	ssyncset.done @!p0 $0x0  }
0xa5: {  	[sflag:s0] =	ssyncadd.s32 @!p0 s1  }
0xa6: {  	[bflag:$0x3] =	sbarrier.arrive $0xFFFF  }
0xa7: {  	_ =	shalt  }

// kernel: sparse-core-data-format-call.cloned.1.call-start
scs
called_computation_lowered:
.L_overlay_start_0:
0x0: {  	s2 =	sld [smem:$0x3FD9]  }
0x1: {  	s3 =	sld [smem:$0x3FFE];
	_ =	sdelay $0x1  }
0x2: {  	s1 =	srdreg.scid  }
0x3: {  	s0 =	sand.u32 $0x1, s1  }
0x4: {  	s18 =	sshll.u32 s0, $0xA;
	s2 =	sadd.s32 s3, s2  }
0x5: {  	s2 =	sadd.s32 s2, s18  }
0x6: {  	[smem:$0x3FC6] =	sst s2  }
0x7: {  	_ = 	snop  }
0x8: {  	s2 =	sld [smem:$0x3FD0];
	(tm) =	ssettm $0x1  }
0x9: {  	s19 =	sld [smem:$0x3FFB];
	_ =	sdelay $0x3  }
0xa: {  	_ =	strace s19  }
0xb: {  	s3 =	sld [smem:$0x3FFC];
	_ =	sdelay $0x3  }
0xc: {  	_ =	strace s3  }
0xd: {  	s3 =	sld [smem:$0x3FFD];
	_ =	sdelay $0x3  }
0xe: {  	_ =	strace s3  }
0xf: {  	_ =	strace $0x8FFFFFFF  }
0x10: {  	s20 =	sld [smem:$0x3FDB];
	_ =	sdelay $0x1  }
0x11: {  	s4 =	simm.s32 $_scs_section_size  }
0x12: {  	s5 =	simm.s32 $_size__tile_overlayer_lowered;
	s6 =	simm.s32 $_tile_overlayer_lowered  }
0x13: {  	s23 =	simm.s32 $0x1BFF;
	s22 =	sshll.u32 s6, $0x1;
	s3 =	sadd.s32 s4, s20  }
0x14: {  	s7 =	simm.s32 $0x0;
	s21 =	sshll.u32 s5, $0x1;
	s5 =	sadd.s32 s22, s3  }
0x15: {  	[timem:s7], [sflag:s23] =	dma.local [hbm:s5], s21  }
0x16: {  	_ =	swait.ge [sflag:s23], s21  }
0x17: {  	s4 =	ssub.s32 $0x0, s21;
	[sflag:s23] =	ssyncset.done $0x0  }
0x18: {  	[sflag:s23] =	ssyncadd.s32 s4;
	_ =	sdelay $0x1  }
0x19: {  	s24 =	simm.s32 $0x1B8B  }
0x1a: {  	_ =	swait.ge [sflag:s24], $0x1  }
0x1b: {  	[sflag:s24] =	ssyncset.done $0x0  }
0x1c: {  	s26 =	simm.s32 $0x1B8E;
	s25 =	sld [smem:$0x3FFE];
	[sflag:s24] =	ssyncadd.s32 $0xFFFFFFFF  }
0x1d: {  	s27 =	simm.s32 $execute0_lowered;
	[smem:$0x3FD2] =	sst s26  }
0x1e: {  	s5 =	sshll.u32 s27, $0x1;
	_ =	strace $0x80000049;
	[dreg:$0x1] =	wrdreg $0xFFFFFFFF  }
0x1f: {  	s28 =	simm.s32 $_size_execute0_lowered;
	s3 =	sadd.s32 s3, s5;
	[dreg:$0x0] =	wrdreg $0x0  }
0x20: {  	s5 =	sshll.u32 s28, $0x1;
	[dreg:$0x2] =	wrdreg s3  }
0x21: {  	[dreg:$0x3] =	wrdreg s5  }
0x22: {  	[dreg:$0x4] =	wrdreg $0xC0  }
0x23: {  	_ =	task [dreg:s7], $0x5FFFF  }
0x24: {  	[dreg:$0x1] =	wrdreg $0xFFFFFFFF  }
0x25: {  	[dreg:$0x0] =	wrdreg $0x60  }
0x26: {  	[dreg:$0x2] =	wrdreg s25  }
0x27: {  	[dreg:$0x3] =	wrdreg s2  }
0x28: {  	[dreg:$0x4] =	wrdreg $0x9  }
0x29: {  	_ =	task.clear_ibuf [dreg:s7], $0x5FFFF;
	_ =	strace $0x90000049  }
0x2a: {  	s29 =	simm.s32 $0x9;
	_ =	strace $0x8000004B  }
0x2b: {  	_ =	swait.ge [sflag:s29], $0x1  }
0x2c: {  	[sflag:s29] =	ssyncadd.s32 $0xFFFFFFFF  }
0x2d: {  	_ =	strace $0x9000004B  }
0x2e: {  	_ =	sfence  }
0x2f: {  	s30 =	sld [smem:$0x0];
	_ =	sdelay $0x2  }
0x30: {  	s31 =	sshll.u32 s1, $0xD;
	s1 =	sshrl.u32 s1, $0x2  }
0x31: {  	s3 =	sand.u32 $0x4000, s31;
	s1 =	sadd.s32 s1, s30  }
0x32: {  	s0 =	sor.u32 s3, s0;
	s1 =	sshll.u32 s1, $0x11  }
0x33: {  	s0 =	sor.u32 s1, s0  }
0x34: {  	s0 =	sadd.s32 $0x8F2B, s0  }
0x35: {  	[sflag:s0] =	ssyncadd.remote.s32 $0x1  }
0x36: {  	_ =	sfence.sel $0xFFFF  }
0x37: {  	[dreg:$0x0] =	wrdreg $0xFFFFFFFF;
	(pc) =	sbr.abs _section_cstart, $3  }
0x38: {  	[dreg:$0x1] =	wrdreg $0xFFFFFFFF  }
0x39: {  	_ =	task.clear_ibuf [dreg:s7], $0x2FFFF;
	_ =	strace $0x9FFFFFFF  }
0x3a: {  	(tm) =	ssettm $0x7FFFFFFF  }
0x3b: {  	_ =	shalt  }
tec
execute0_lowered:
.L_overlay_start_1:
0x0: {  	(tag) =	ssettag $0x1  }
0x1: {  	s0 =	srdreg.scid  }
0x2: {  	s1 =	sshll.u32 s0, $0x4  }
0x3: {  	s0 =	stileid.u32;
	s1 =	sand.u32 $0x10, s1  }
0x4: {  	s1 =	sor.u32 s0, s1  }
0x5: {  	s6 =	rddreg [dreg:$0x0];
	s4 =	simm.s32 $0x1;
	s2 =	sshll.u32 s1, $0x7  }
0x6: {  	s7 =	simm.s32 $0x2;
	s12 =	simm.s32 $0x0;
	s1 =	ssub.s32 $0x1000, s2  }
0x7: {  	s8 =	simm.s32 $0x8000;
	s13 =	simm.s32 $0x0;
	s3 =	sand.u32 $0xF80, s1  }
0x8: {  	s9 =	simm.s32 $0x0;
	s5 =	sshrl.u32 s1, $0xC;
	p0 =	sne.s32 s3, $0x0  }
.Ltmp0:
0x9: {  	s1 =	rddreg [dreg:$0x2];
	s4 =	simm.s32 @!p0 $0x0;
	(pc) =	sbr.rel .LBB1_1-.Ltmp0, $4  }
0xa: {  	s11 =	simm.s32 $0x0;
	s3 =	rddreg [dreg:$0x1];
	s5 =	sadd.s32 s4, s5  }
0xb: {  	_ =	strace $0x8000004A;
	s4 =	simm.s32 $0x1;
	s5 =	smul.u32 $0xC8, s5  }
0xc: {  	s6 =	sadd.s32 $0xA00, s6;
	s10 =	smov.u32 s2;
	[sflag:s4] =	ssyncpa.u1 $0x0  }
0xd: {  	p0 =	por $0x0, $0x0;
	[sflag:s7] =	ssyncpa.u1 $0x0;
	s7 =	sor.u32 $0x1, s5  }
.LBB1_4:
0xe: {  	s16 =	sshll.u32 s13, $0x3;
	s17 =	sand.u32 $0x78, s13  }
0xf: {  	s30 =	sand.u32 $0x7E00, s13;
	s12 =	sshll.u32 s12, $0xF;
	s16 =	sand.u32 $0xC00, s16  }
0x10: {  	[tilespmem:s15+$0x810 ss:$0x81] =	vst.msk $0xffff, v2;
	s31 =	sand.u32 $0x7, s13;
	s16 =	sor.u32 s17, s16;
	s17 =	sadd.s32 s3, s30  }
0x11: {  	[tilespmem:s15+$0x1020 ss:$0x81] =	vst.msk $0xffff, v0;
	s13 =	sshll.u32 s31, $0x12;
	s12 =	sadd.s32 s12, s17;
	s16 =	sshrl.u32 s16, $0x3  }
0x12: {  	[tilespmem:s15+$0x0 ss:$0x81] =	vst.msk $0xffff, v1;
	s13 =	sor.u32 $0x400, s13;
	s12 =	sadd.s32 s16, s12  }
0x13: {  	[hbm4b:s12+s13] =	stream.strided.scatter [tilespmem:s14], [sflag:$0x2], $0x2000, s8, s13, $0x20;
	[tilespmem:$0x8080] =	vst v63  }
.LBB1_5:
0x14: {  	s14 =	sadd.s32 $0x1, s9  }
0x15: {  	s12 =	sadd.s32 $0x1000, s10;
	s16 =	smov.u32 s10;
	p2 =	sgt.s32 s14, $0xC7  }
0x16: {  	s16 =	smov.u32 @p2 s12  }
0x17: {  	s14 =	simm.s32 @p2 $0x0;
	p2 =	sgt.s32 s16, $0xFFF  }
0x18: {  	s16 =	smov.u32 @p2 s2;
	p2 =	sne.s32 s11, s7  }
.Ltmp1:
0x19: {  	p1 =	slt.u32 s11, $0x2;
	(pc) =	sbr.rel @!p2 .LBB1_6-.Ltmp1, $4  }
0x1a: {  	s15 =	simm.s32 @!p1 $0x2  }
0x1b: {  	s13 =	smov.u32 s10;
	p0 =	por !p0, !p0;
	_ =	swait.ge @!p1 [sflag:s15], $0x2000  }
0x1c: {  	s12 =	smov.u32 s9;
	[sflag:s15] =	ssyncset.done @!p1 $0x0;
	s9 =	smov.u32 s14  }
0x1d: {  	s11 =	sadd.s32 $0x1, s11;
	[sflag:s15] =	ssyncadd.s32 @!p1 $0xFFFFE000;
	s10 =	smov.u32 s16  }
.LBB1_1:
0x1e: {  	p1 =	sge.u32 s11, s5  }
0x1f: {  	s14 =	sand.u32 @!p1 $0x1FFFFFF, s9  }
0x20: {  	s15 =	smulhi.u32 @!p1 $0x147AE15, s14;
	_ =	sdelay $0x1  }
0x21: {  	s15 =	smul.u32 @!p1 $0xC8, s15  }
0x22: {  	s16 =	sxor.u32 @!p1 $0xFFFFFFFF, s11;
	s17 =	smul.u32 @!p1 $0xC80, s10  }
0x23: {  	s31 =	sadd.s32 $0xFFFFFFFF, s11;
	s16 =	sshll.u32 @!p1 s16, $0xD;
	s14 =	ssub.s32 @!p1 s14, s15  }
0x24: {  	s15 =	sand.u32 @!p1 $0x2000, s16;
	s16 =	sadd.s32 @!p1 s6, s17;
	s14 =	sshll.u32 @!p1 s14, $0x4  }
0x25: {  	s17 =	simm.s32 @!p1 $0x6400;
	s14 =	sadd.s32 @!p1 s14, s16;
	s16 =	simm.s32 @!p1 $0x40  }
0x26: {  	[tilespmem:s15], [sflag:$0x1] =	stream.strided.gather @!p1 [hbm4b:s14+s16], $0x2000, s17, s16, $0x38;
	[tilespmem:$0x8080] =	vst v63  }
0x27: {  	p1 =	sge.u32 s31, s5  }
.Ltmp2:
0x28: {  	_ = 	snop;
	(pc) =	sbr.rel @p1 .LBB1_5-.Ltmp2, $1  }
0x29: {  	_ =	sdelay $0x3  }
0x2a: {  	s14 =	simm.s32 $0x1  }
0x2b: {  	_ =	swait.ge [sflag:s4], $0x2000;
	s14 =	simm.s32 @!p0 $0x0  }
0x2c: {  	[sflag:s4] =	ssyncset.done $0x0;
	s15 =	sshll.u32 s14, $0xD  }
0x2d: {  	[sflag:s4] =	ssyncadd.s32 $0xFFFFE000;
	s18 =	sor.u32 $0x20, s15  }
0x2e: {  	s14 =	smul.u32 $0x8100, s14;
	v3 =	vld [tilespmem:s18+$0x10]  }
0x2f: {  	s30 =	sand.u32 $0x1, s11;
	v2 =	vld [tilespmem:s18+$0xFFFFFFF0]  }
0x30: {  	s15 =	smul.u32 $0x8100, s30;
	s14 =	sshrl.u32 s14, $0x2;
	v0 =	vld [tilespmem:s18+$0x0]  }
0x31: {  	v1 =	vld [tilespmem:s18+$0xFFFFFFE0];
	s16 =	sor.u32 $0x4000, s14  }
0x32: {  	s31 =	sshrl.u32 s15, $0x2;
	s15 =	sadd.s32 $0x0, s16  }
0x33: {  	s17 =	simm.s32 $0x4;
	s18 =	sadd.s32 $0x40, s18;
	s14 =	sor.u32 $0x4000, s31;
	[tilespmem:s15+$0x1830 ss:$0x81] =	vst.msk $0xffff, v3  }
.LBB1_3:
0x34: {  	v3 =	vld [tilespmem:s18+$0x10];
	p1 =	sne.s32 s17, $0x1FC;
	[tilespmem:s15+$0x810 ss:$0x81] =	vst.msk $0xffff, v2;
	s19 =	smov.u32 s17;
	s17 =	sadd.s32 $0x4, s17  }
.Ltmp3:
0x35: {  	v2 =	vld [tilespmem:s18+$0xFFFFFFF0];
	[tilespmem:s15+$0x1020 ss:$0x81] =	vst.msk $0xffff, v0;
	(pc) =	sbr.rel @p1 .LBB1_3-.Ltmp3, $4  }
0x36: {  	v0 =	vld [tilespmem:s18+$0x0];
	[tilespmem:s15+$0x0 ss:$0x81] =	vst.msk $0xffff, v1  }
0x37: {  	s15 =	sshra.s32 s19, $0x2;
	v1 =	vld [tilespmem:s18+$0xFFFFFFE0]  }
0x38: {  	s15 =	sadd.s32 s15, s16  }
0x39: {  	s18 =	sadd.s32 $0x40, s18;
	[tilespmem:s15+$0x1830 ss:$0x81] =	vst.msk $0xffff, v3  }
.Ltmp4:
0x3a: {  	_ = 	snop;
	(pc) =	sbr.rel .LBB1_4-.Ltmp4, $1  }
0x3b: {  	_ =	sdelay $0x3  }
.LBB1_6:
0x3c: {  	_ =	sfence.sel $0x180000  }
0x3d: {  	s2 =	simm.s32 $0x1;
	[bflag:$0x0] =	sbarrier.arrive $0xFFFF  }
0x3e: {  	s31 =	simm.s32 $0x2;
	[sflag:s2] =	ssyncpa.u1 $0x1  }
0x3f: {  	[sflag:s31] =	ssyncpa.u1 $0x1  }
0x40: {  	p0 =	sne.s32 s0, $0x0;
	_ =	strace $0x9000004A  }
0x41: {  	s0 =	sadd.s32 @!p0 $0x100000, s1;
	[bflag:$0x2] =	sbarrier.arrive $0xFFFF  }
0x42: {  	[sflag:s0] =	ssyncadd.tile.s32 @!p0 $0x1;
	_ =	shalt  }
.Lfunc_end1:
_tile_overlayer_lowered:
.L_overlay_start_2:
0x43: {  	(tag) =	ssettag $0x2  }
0x44: {  	s0 =	rddreg [dreg:$0x0];
	s2 =	stileid.u32  }
0x45: {  	s1 =	rddreg [dreg:$0x1];
	p0 =	sne.s32 s2, $0x0  }
0x46: {  	s3 =	rddreg [dreg:$0x2];
	[bflag:$0x3] =	sbarrier.arrive $0xFFFF;
	s2 =	simm.s32 @!p0 $0x1C01  }
0x47: {  	[timem:s3], [sflag:s2] =	dma.local @!p0 [hbm:s0], s1  }
0x48: {  	s0 =	simm.s32 @!p0 $0x1  }
0x49: {  	_ =	swait.ge @!p0 [sflag:s0], s1  }
0x4a: {  	s1 =	ssub.s32 @!p0 $0x0, s1;
	[sflag:s0] =	ssyncset.done @!p0 $0x0  }
0x4b: {  	[sflag:s0] =	ssyncadd.s32 @!p0 s1  }
0x4c: {  	[bflag:$0x3] =	sbarrier.arrive $0xFFFF  }
0x4d: {  	_ =	shalt  }

</sc_bundles>
